<compile_context>
chip_gen: v7x
topology: tpu7x:2x2x1
jax: 0.10.2.dev20260603
libtpu: 0.0.44.dev20260713+nightly
codegen_flags: <defaults>
</compile_context>

<pallas_src>
import functools

import jax
import jax.numpy as jnp
from jax import lax
from jax.experimental import pallas as pl
from jax.experimental.pallas import tpu as pltpu
from jax.experimental.pallas import tpu_sc as plsc

NC = 2
NS = 16
NW = NC * NS
CHUNK = 128
G = 64



def _make_deg_kernel(nch, drows, dpt):
    mesh = plsc.VectorSubcoreMesh(core_axis_name="c", subcore_axis_name="s",
                                  num_cores=NC, num_subcores=NS)

    @functools.partial(
        pl.kernel,
        out_type=jax.ShapeDtypeStruct((NC, drows), jnp.float32),
        mesh=mesh,
        scratch_types=[
            pltpu.VMEM((nch, CHUNK), jnp.int32),
            pltpu.VMEM((CHUNK,), jnp.float32),
            pltpu.VMEM((dpt,), jnp.float32),
            pltpu.VMEM_SHARED((drows,), jnp.float32),
        ],
    )
    def deg_kernel(dst_hbm, degp_hbm, dst_v, ones_v, zbuf, deg_sh):
        c = lax.axis_index("c")
        s = lax.axis_index("s")
        wid = s * NC + c

        def fill_ones(i, _):
            ones_v[pl.ds(i * 16, 16)] = jnp.ones((16,), jnp.float32)
            return 0

        lax.fori_loop(0, CHUNK // 16, fill_ones, 0)

        def fill_zero(i, _):
            zbuf[pl.ds(i * 16, 16)] = jnp.zeros((16,), jnp.float32)
            return 0

        lax.fori_loop(0, dpt // 16, fill_zero, 0)
        pltpu.sync_copy(zbuf, deg_sh.at[pl.ds(s * dpt, dpt)])
        plsc.subcore_barrier()

        pltpu.sync_copy(dst_hbm.at[wid], dst_v)

        def chunk(j, _):
            pltpu.sync_copy(ones_v, deg_sh.at[dst_v.at[j]], add=True)
            return 0

        lax.fori_loop(0, nch, chunk, 0)
        plsc.subcore_barrier()
        pltpu.sync_copy(deg_sh.at[pl.ds(s * dpt, dpt)],
                        degp_hbm.at[c, pl.ds(s * dpt, dpt)])

    return deg_kernel


def _make_mp_kernel(nch, zrows, rpt, f):
    mesh = plsc.VectorSubcoreMesh(core_axis_name="c", subcore_axis_name="s",
                                  num_cores=NC, num_subcores=NS)

    @functools.partial(
        pl.kernel,
        out_type=jax.ShapeDtypeStruct((NC, zrows, f), jnp.float32),
        mesh=mesh,
        scratch_types=[
            pltpu.VMEM((nch, CHUNK), jnp.int32),
            pltpu.VMEM((nch, CHUNK), jnp.int32),
            pltpu.VMEM((CHUNK, f), jnp.float32),
            pltpu.VMEM_SHARED((zrows, f), jnp.float32),
            pltpu.SemaphoreType.DMA,
        ],
    )
    def mp_kernel(y_hbm, src_hbm, dst_hbm, z_hbm, src_v, dst_v, rows_v, z_sh, sem):
        c = lax.axis_index("c")
        s = lax.axis_index("s")
        wid = s * NC + c

        pltpu.sync_copy(y_hbm.at[pl.ds(s * rpt, rpt)],
                        z_sh.at[pl.ds(s * rpt, rpt)])
        plsc.subcore_barrier()

        pltpu.sync_copy(src_hbm.at[wid], src_v)
        pltpu.sync_copy(dst_hbm.at[wid], dst_v)

        def chunk(j, _):
            pltpu.async_copy(y_hbm.at[src_v.at[j]], rows_v, sem).wait()
            pltpu.sync_copy(rows_v, z_sh.at[dst_v.at[j]], add=True)
            return 0

        lax.fori_loop(0, nch, chunk, 0)
        plsc.subcore_barrier()
        pltpu.sync_copy(z_sh.at[pl.ds(s * rpt, rpt)],
                        z_hbm.at[c, pl.ds(s * rpt, rpt)])

    return mp_kernel



def _t1_body(x_ref, w_ref, d0_ref, d1_ref, y_ref, dinv_ref):
    dinv = lax.rsqrt(d0_ref[...] + d1_ref[...] + 1.0)
    y_ref[...] = dinv * jnp.dot(x_ref[...], w_ref[...],
                                preferred_element_type=jnp.float32)
    dinv_ref[...] = dinv


def _t2_body(z0_ref, z1_ref, y_ref, dinv_ref, b_ref, w_ref, out_ref):
    dinv = dinv_ref[...]
    h = dinv * (z0_ref[...] + z1_ref[...] - y_ref[...]) + b_ref[...]
    h = jnp.maximum(h, 0.0)
    out_ref[...] = dinv * jnp.dot(h, w_ref[...],
                                  preferred_element_type=jnp.float32)


def _t3_body(z0_ref, z1_ref, y_ref, dinv_ref, b_ref, batch_ref, wfc_ref,
             bfc_ref, out_ref, s_acc, c_acc, *, blk):
    i = pl.program_id(0)

    @pl.when(i == 0)
    def _():
        s_acc[...] = jnp.zeros_like(s_acc)
        c_acc[...] = jnp.zeros_like(c_acc)

    h = dinv_ref[...] * (z0_ref[...] + z1_ref[...] - y_ref[...]) + b_ref[...]
    h = jnp.maximum(h, 0.0)
    seg = lax.broadcasted_iota(jnp.int32, (blk, G), 1)
    oh = (batch_ref[...] == seg).astype(jnp.float32)
    dn = (((0,), (0,)), ((), ()))
    s_acc[...] += lax.dot_general(oh, h, dn,
                                  preferred_element_type=jnp.float32)
    c_acc[...] += lax.dot_general(oh, jnp.ones((blk, 8), jnp.float32), dn,
                                  preferred_element_type=jnp.float32)

    @pl.when(i == pl.num_programs(0) - 1)
    def _():
        cnt = jnp.maximum(lax.slice(c_acc[...], (0, 0), (G, 1)), 1.0)
        pooled = s_acc[...] / cnt
        out_ref[...] = jnp.dot(pooled, wfc_ref[...],
                               preferred_element_type=jnp.float32) + bfc_ref[...]


def _row_spec(blk, f):
    return pl.BlockSpec((blk, f), lambda i: (i, 0))


def _full_spec(shape):
    return pl.BlockSpec(shape, lambda i: tuple(0 for _ in shape))



def kernel(x, edge_index, batch, W1, b1, W2, b2, Wfc, bfc):
    n, f = x.shape
    h = W1.shape[1]
    e = edge_index.shape[1]

    src = edge_index[0].astype(jnp.int32)
    dst = edge_index[1].astype(jnp.int32)
    batch32 = batch.astype(jnp.int32).reshape(n, 1)

    nch = -(-e // (NW * CHUNK))
    ep = NW * nch * CHUNK
    src_p = jnp.concatenate(
        [src, jnp.zeros((ep - e,), jnp.int32)]).reshape(NW, nch, CHUNK)
    dst_p = jnp.concatenate(
        [dst, jnp.full((ep - e,), n, jnp.int32)]).reshape(NW, nch, CHUNK)

    zrows = ((n + 1 + NS * 8 - 1) // (NS * 8)) * (NS * 8)
    rpt = zrows // NS
    drows = ((n + 1 + NS * 16 - 1) // (NS * 16)) * (NS * 16)
    dpt = drows // NS

    deg_kernel = _make_deg_kernel(nch, drows, dpt)
    mp_kernel = _make_mp_kernel(nch, zrows, rpt, f)

    degp = deg_kernel(dst_p)
    d0 = degp[0, :n].reshape(n, 1)
    d1 = degp[1, :n].reshape(n, 1)

    blk = 1000
    nb = n // blk

    t1 = pl.pallas_call(
        _t1_body,
        grid=(nb,),
        in_specs=[_row_spec(blk, f), _full_spec((f, h)),
                  _row_spec(blk, 1), _row_spec(blk, 1)],
        out_specs=[_row_spec(blk, h), _row_spec(blk, 1)],
        out_shape=[jax.ShapeDtypeStruct((n, h), jnp.float32),
                   jax.ShapeDtypeStruct((n, 1), jnp.float32)],
    )
    y1, dinv = t1(x, W1, d0, d1)

    pad = jnp.zeros((zrows - n, h), jnp.float32)
    zp1 = mp_kernel(jnp.concatenate([y1, pad]), src_p, dst_p)

    t2 = pl.pallas_call(
        _t2_body,
        grid=(nb,),
        in_specs=[_row_spec(blk, h), _row_spec(blk, h), _row_spec(blk, h),
                  _row_spec(blk, 1), _full_spec((1, h)), _full_spec((h, h))],
        out_specs=_row_spec(blk, h),
        out_shape=jax.ShapeDtypeStruct((n, h), jnp.float32),
    )
    y2 = t2(zp1[0, :n], zp1[1, :n], y1, dinv, b1.reshape(1, h), W2)

    zp2 = mp_kernel(jnp.concatenate([y2, pad]), src_p, dst_p)

    t3 = pl.pallas_call(
        functools.partial(_t3_body, blk=blk),
        grid=(nb,),
        in_specs=[_row_spec(blk, h), _row_spec(blk, h), _row_spec(blk, h),
                  _row_spec(blk, 1), _full_spec((1, h)),
                  pl.BlockSpec((blk, 1), lambda i: (i, 0)),
                  _full_spec((h, 1)), _full_spec((1, 1))],
        out_specs=_full_spec((G, 1)),
        out_shape=jax.ShapeDtypeStruct((G, 1), jnp.float32),
        scratch_shapes=[pltpu.VMEM((G, h), jnp.float32),
                        pltpu.VMEM((G, 8), jnp.float32)],
        compiler_params=pltpu.CompilerParams(
            dimension_semantics=("arbitrary",)),
    )
    return t3(zp2[0, :n], zp2[1, :n], y2, dinv, b2.reshape(1, h),
              batch32, Wfc, bfc.reshape(1, 1))

# --- scband reference (transcript-rebuilt; emitter-appended) ---
"""Pipeline reference for scband-gnnmodel-28509992911450 (READ-ONLY COPY).

The authoritative reference and input builder live on the scoring server;
editing this copy changes nothing except your own understanding.
"""

import jax, jax.numpy as jnp
import numpy as np

N = 10000
E = 320000
F_IN = 128
H = 128
G = 64


def gcn_conv(x, src, dst, W, b, n_nodes):
    # PyG GCNConv: add self-loops, symmetric normalization D^-1/2 (A+I) D^-1/2 X W + b
    loop = jnp.arange(n_nodes, dtype=src.dtype)
    src_sl = jnp.concatenate([src, loop])
    dst_sl = jnp.concatenate([dst, loop])
    xw = x @ W
    deg = jnp.zeros((n_nodes,), dtype=x.dtype).at[dst_sl].add(1.0)
    dinv = jnp.where(deg > 0, deg ** -0.5, 0.0)
    norm = dinv[src_sl] * dinv[dst_sl]
    msgs = xw[src_sl] * norm[:, None]
    out = jax.ops.segment_sum(msgs, dst_sl, num_segments=n_nodes)
    return out + b


def setup_inputs(seed: int = 0) -> dict:
    key = jax.random.key(seed)
    ks = jax.random.split(key, 10)
    x = jax.random.normal(ks[0], (N, F_IN), dtype=jnp.float32)
    edge_index = jax.random.randint(ks[1], (2, E), 0, N, dtype=jnp.int64)
    batch = jnp.sort(jax.random.randint(ks[2], (N,), 0, G, dtype=jnp.int64))
    s1 = 1.0 / np.sqrt(F_IN)
    s2 = 1.0 / np.sqrt(H)
    W1 = jax.random.uniform(ks[3], (F_IN, H), jnp.float32, -s1, s1)
    b1 = jnp.zeros((H,), jnp.float32)
    W2 = jax.random.uniform(ks[4], (H, H), jnp.float32, -s2, s2)
    b2 = jnp.zeros((H,), jnp.float32)
    Wfc = jax.random.uniform(ks[5], (H, 1), jnp.float32, -s2, s2)
    bfc = jnp.zeros((1,), jnp.float32)
    return {"x": x, "edge_index": edge_index, "batch": batch,
            "W1": W1, "b1": b1, "W2": W2, "b2": b2, "Wfc": Wfc, "bfc": bfc}


def reference(x, edge_index, batch, W1, b1, W2, b2, Wfc, bfc):
    src, dst = edge_index[0], edge_index[1]
    h = jax.nn.relu(gcn_conv(x, src, dst, W1, b1, N))
    h = jax.nn.relu(gcn_conv(h, src, dst, W2, b2, N))
    s = jax.ops.segment_sum(h, batch, num_segments=G)
    cnt = jax.ops.segment_sum(jnp.ones((N,), h.dtype), batch, num_segments=G)
    pooled = s / jnp.maximum(cnt, 1.0)[:, None]
    return pooled @ Wfc + bfc

if __name__ == "__main__":
    import jax
    _d = setup_inputs()
    print(jax.jit(kernel)(*tuple(_d.values())))

</pallas_src>

<mosaic_0001>
#map = affine_map<(d0, d1) -> (0, 0, 0)>
#map1 = affine_map<(d0, d1) -> (0, 0)>
module attributes {stable_mosaic.version = 14 : i64} {
  func.func @deg_kernel(%arg0: i32, %arg1: i32, %arg2: memref<32x79x128xi32, #tpu.memory_space<hbm>>, %arg3: memref<2x10240xf32, #tpu.memory_space<hbm>>, %arg4: memref<79x128xi32, #tpu.memory_space<vmem>>, %arg5: memref<128xf32, #tpu.memory_space<vmem>>, %arg6: memref<640xf32, #tpu.memory_space<vmem>>, %arg7: memref<10240xf32, #tpu.memory_space<vmem_shared>>) attributes {dimension_semantics = [#tpu.dimension_semantics<core_parallel>, #tpu.dimension_semantics<subcore_parallel>], iteration_bounds = array<i64: 2, 16>, scalar_prefetch = 0 : i64, scratch_operands = 4 : i64, tpu.core_type = #tpu.core_type<sc_vector_subcore>, window_params = [{transform_indices = #map}, {transform_indices = #map1}]} {
    %mul3A = arith.constant 2 : i32
    %mul3A_0 = arith.muli %arg1, %mul3A : i32
    %add3A = arith.addi %mul3A_0, %arg0 : i32
    %scan3A = arith.constant 0 : i32
    %scan3A_1 = arith.constant 0 : i32
    %scan3A_2 = arith.constant 8 : i32
    %scan3A_3 = arith.addi %scan3A_1, %scan3A_2 : i32
    %scan3A_4 = arith.constant 1 : i32
    %scan3A_5 = scf.for %scan3A_28 = %scan3A_1 to %scan3A_3 step %scan3A_4 iter_args(%scan3A_29 = %scan3A) -> (i32)  : i32 {
      %broadcast_in_dim3A = arith.constant 1.000000e+00 : f32
      %broadcast_in_dim3A_30 = vector.broadcast %broadcast_in_dim3A : f32 to vector<16xf32>
      %mul3A_31 = arith.constant 16 : i32
      %mul3A_32 = arith.muli %scan3A_28, %mul3A_31 : i32
      %swap3A = arith.index_cast %mul3A_32 : i32 to index
      %swap3A_33 = tpu.vector_load %arg5[%swap3A] {strides = array<i32>} : memref<128xf32, #tpu.memory_space<vmem>>, vector<16xf32>,
      %swap3A_34 = vector.shape_cast %swap3A_33 : vector<16xf32> to vector<16xf32>
      %swap3A_35 = vector.shape_cast %broadcast_in_dim3A_30 : vector<16xf32> to vector<16xf32>
      tpu.vector_store %arg5[%swap3A], %swap3A_35 {strides = array<i32>} : memref<128xf32, #tpu.memory_space<vmem>>, vector<16xf32>,
      %scan3A_36 = arith.constant 0 : i32
      scf.yield %scan3A_36 : i32
    }
    %scan3A_6 = arith.constant 8 : i32
    %scan3A_7 = arith.constant 0 : i32
    %scan3A_8 = arith.constant 0 : i32
    %scan3A_9 = arith.constant 40 : i32
    %scan3A_10 = arith.addi %scan3A_8, %scan3A_9 : i32
    %scan3A_11 = arith.constant 1 : i32
    %scan3A_12 = scf.for %scan3A_28 = %scan3A_8 to %scan3A_10 step %scan3A_11 iter_args(%scan3A_29 = %scan3A_7) -> (i32)  : i32 {
      %broadcast_in_dim3A = arith.constant 0.000000e+00 : f32
      %broadcast_in_dim3A_30 = vector.broadcast %broadcast_in_dim3A : f32 to vector<16xf32>
      %mul3A_31 = arith.constant 16 : i32
      %mul3A_32 = arith.muli %scan3A_28, %mul3A_31 : i32
      %swap3A = arith.index_cast %mul3A_32 : i32 to index
      %swap3A_33 = tpu.vector_load %arg6[%swap3A] {strides = array<i32>} : memref<640xf32, #tpu.memory_space<vmem>>, vector<16xf32>,
      %swap3A_34 = vector.shape_cast %swap3A_33 : vector<16xf32> to vector<16xf32>
      %swap3A_35 = vector.shape_cast %broadcast_in_dim3A_30 : vector<16xf32> to vector<16xf32>
      tpu.vector_store %arg6[%swap3A], %swap3A_35 {strides = array<i32>} : memref<640xf32, #tpu.memory_space<vmem>>, vector<16xf32>,
      %scan3A_36 = arith.constant 0 : i32
      scf.yield %scan3A_36 : i32
    }
    %scan3A_13 = arith.constant 40 : i32
    %mul3A_14 = arith.constant 640 : i32
    %mul3A_15 = arith.muli %arg1, %mul3A_14 : i32
    "tpu.region"() ({
      %run_scoped3A = tpu.sem_alloc : memref<!tpu.dma_semaphore, #tpu.memory_space<semaphore_mem>>
      %dma_start3A = tpu.memref_slice %arg7[%mul3A_15] : memref<10240xf32, #tpu.memory_space<vmem_shared>> -> memref<640xf32, #tpu.memory_space<vmem_shared>>
      %dma_start3A_28 = tpu.memref_slice %arg7[%mul3A_15] : memref<10240xf32, #tpu.memory_space<vmem_shared>> -> memref<640xf32, #tpu.memory_space<vmem_shared>>
      tpu.enqueue_dma source(%arg6 : memref<640xf32, #tpu.memory_space<vmem>>) target(%dma_start3A_28 : memref<640xf32, #tpu.memory_space<vmem_shared>>) target_semaphore(%run_scoped3A : memref<!tpu.dma_semaphore, #tpu.memory_space<semaphore_mem>>)
      %dma_wait3A = tpu.memref_slice %arg7[%mul3A_15] : memref<10240xf32, #tpu.memory_space<vmem_shared>> -> memref<640xf32, #tpu.memory_space<vmem_shared>>
      %dma_wait3A_29 = tpu.memref_slice %arg7[%mul3A_15] : memref<10240xf32, #tpu.memory_space<vmem_shared>> -> memref<640xf32, #tpu.memory_space<vmem_shared>>
      tpu.wait_dma2 semaphore(%run_scoped3A : memref<!tpu.dma_semaphore, #tpu.memory_space<semaphore_mem>>) src(%arg6 : memref<640xf32, #tpu.memory_space<vmem>>) dst(%dma_wait3A_29 : memref<640xf32, #tpu.memory_space<vmem_shared>>)
      tpu.yield
    }) : () -> ()
    %barrier3A = arith.constant 0 : index
    tpu.barrier barrier_id(%barrier3A)
    "tpu.region"() ({
      %run_scoped3A = tpu.sem_alloc : memref<!tpu.dma_semaphore, #tpu.memory_space<semaphore_mem>>
      %dma_start3A = arith.constant 0 : i32
      %dma_start3A_28 = arith.constant 0 : i32
      %dma_start3A_29 = tpu.memref_slice %arg2[%add3A, %dma_start3A, %dma_start3A_28] : memref<32x79x128xi32, #tpu.memory_space<hbm>> -> memref<1x79x128xi32, #tpu.memory_space<hbm>>
      %dma_start3A_30 = tpu.memref_squeeze %dma_start3A_29 : memref<1x79x128xi32, #tpu.memory_space<hbm>> -> memref<79x128xi32, #tpu.memory_space<hbm>>
      %dma_start3A_31 = arith.constant 0 : i32
      %dma_start3A_32 = arith.constant 0 : i32
      %dma_start3A_33 = tpu.memref_slice %arg2[%add3A, %dma_start3A_31, %dma_start3A_32] : memref<32x79x128xi32, #tpu.memory_space<hbm>> -> memref<1x79x128xi32, #tpu.memory_space<hbm>>
      %dma_start3A_34 = tpu.memref_squeeze %dma_start3A_33 : memref<1x79x128xi32, #tpu.memory_space<hbm>> -> memref<79x128xi32, #tpu.memory_space<hbm>>
      tpu.enqueue_dma source(%dma_start3A_34 : memref<79x128xi32, #tpu.memory_space<hbm>>) target(%arg4 : memref<79x128xi32, #tpu.memory_space<vmem>>) target_semaphore(%run_scoped3A : memref<!tpu.dma_semaphore, #tpu.memory_space<semaphore_mem>>)
      %dma_wait3A = arith.constant 0 : i32
      %dma_wait3A_35 = arith.constant 0 : i32
      %dma_wait3A_36 = tpu.memref_slice %arg2[%add3A, %dma_wait3A, %dma_wait3A_35] : memref<32x79x128xi32, #tpu.memory_space<hbm>> -> memref<1x79x128xi32, #tpu.memory_space<hbm>>
      %dma_wait3A_37 = tpu.memref_squeeze %dma_wait3A_36 : memref<1x79x128xi32, #tpu.memory_space<hbm>> -> memref<79x128xi32, #tpu.memory_space<hbm>>
      %dma_wait3A_38 = arith.constant 0 : i32
      %dma_wait3A_39 = arith.constant 0 : i32
      %dma_wait3A_40 = tpu.memref_slice %arg2[%add3A, %dma_wait3A_38, %dma_wait3A_39] : memref<32x79x128xi32, #tpu.memory_space<hbm>> -> memref<1x79x128xi32, #tpu.memory_space<hbm>>
      %dma_wait3A_41 = tpu.memref_squeeze %dma_wait3A_40 : memref<1x79x128xi32, #tpu.memory_space<hbm>> -> memref<79x128xi32, #tpu.memory_space<hbm>>
      tpu.wait_dma2 semaphore(%run_scoped3A : memref<!tpu.dma_semaphore, #tpu.memory_space<semaphore_mem>>) src(%dma_wait3A_41 : memref<79x128xi32, #tpu.memory_space<hbm>>) dst(%arg4 : memref<79x128xi32, #tpu.memory_space<vmem>>)
      tpu.yield
    }) : () -> ()
    %scan3A_16 = arith.constant 0 : i32
    %scan3A_17 = arith.constant 0 : i32
    %scan3A_18 = arith.constant 79 : i32
    %scan3A_19 = arith.addi %scan3A_17, %scan3A_18 : i32
    %scan3A_20 = arith.constant 1 : i32
    %scan3A_21 = scf.for %scan3A_28 = %scan3A_17 to %scan3A_19 step %scan3A_20 iter_args(%scan3A_29 = %scan3A_16) -> (i32)  : i32 {
      "tpu.region"() ({
        %run_scoped3A = tpu.sem_alloc : memref<!tpu.dma_semaphore, #tpu.memory_space<semaphore_mem>>
        %dma_start3A = arith.constant 0 : i32
        %dma_start3A_31 = tpu.memref_slice %arg4[%scan3A_28, %dma_start3A] : memref<79x128xi32, #tpu.memory_space<vmem>> -> memref<1x128xi32, #tpu.memory_space<vmem>>
        %dma_start3A_32 = tpu.memref_squeeze %dma_start3A_31 : memref<1x128xi32, #tpu.memory_space<vmem>> -> memref<128xi32, #tpu.memory_space<vmem>>
        %dma_start3A_33 = arith.constant 0 : i32
        %dma_start3A_34 = tpu.memref_slice %arg7[%dma_start3A_33] : memref<10240xf32, #tpu.memory_space<vmem_shared>> -> memref<10240xf32, #tpu.memory_space<vmem_shared>>
        tpu.enqueue_indirect_dma source(%arg5 : memref<128xf32, #tpu.memory_space<vmem>>) target(%dma_start3A_34 : memref<10240xf32, #tpu.memory_space<vmem_shared>>) offsets(%dma_start3A_32 : memref<128xi32, #tpu.memory_space<vmem>>) semaphore(%run_scoped3A : memref<!tpu.dma_semaphore, #tpu.memory_space<semaphore_mem>>) {add = true}
        %dma_wait3A = arith.constant 0 : i32
        %dma_wait3A_35 = tpu.memref_slice %arg4[%scan3A_28, %dma_wait3A] : memref<79x128xi32, #tpu.memory_space<vmem>> -> memref<1x128xi32, #tpu.memory_space<vmem>>
        %dma_wait3A_36 = tpu.memref_squeeze %dma_wait3A_35 : memref<1x128xi32, #tpu.memory_space<vmem>> -> memref<128xi32, #tpu.memory_space<vmem>>
        %dma_wait3A_37 = arith.constant 0 : i32
        %dma_wait3A_38 = tpu.memref_slice %arg7[%dma_wait3A_37] : memref<10240xf32, #tpu.memory_space<vmem_shared>> -> memref<10240xf32, #tpu.memory_space<vmem_shared>>
        tpu.wait_indirect_dma semaphore(%run_scoped3A : memref<!tpu.dma_semaphore, #tpu.memory_space<semaphore_mem>>) src(%arg5 : memref<128xf32, #tpu.memory_space<vmem>>) dst(%dma_wait3A_38 : memref<10240xf32, #tpu.memory_space<vmem_shared>>)
        tpu.yield
      }) : () -> ()
      %scan3A_30 = arith.constant 0 : i32
      scf.yield %scan3A_30 : i32
    }
    %scan3A_22 = arith.constant 79 : i32
    %barrier3A_23 = arith.constant 0 : index
    tpu.barrier barrier_id(%barrier3A_23)
    %mul3A_24 = arith.constant 640 : i32
    %mul3A_25 = arith.muli %arg1, %mul3A_24 : i32
    %mul3A_26 = arith.constant 640 : i32
    %mul3A_27 = arith.muli %arg1, %mul3A_26 : i32
    "tpu.region"() ({
      %run_scoped3A = tpu.sem_alloc : memref<!tpu.dma_semaphore, #tpu.memory_space<semaphore_mem>>
      %dma_start3A = tpu.memref_slice %arg3[%arg0, %mul3A_27] : memref<2x10240xf32, #tpu.memory_space<hbm>> -> memref<1x640xf32, #tpu.memory_space<hbm>>
      %dma_start3A_28 = tpu.memref_squeeze %dma_start3A : memref<1x640xf32, #tpu.memory_space<hbm>> -> memref<640xf32, #tpu.memory_space<hbm>>
      %dma_start3A_29 = tpu.memref_slice %arg7[%mul3A_25] : memref<10240xf32, #tpu.memory_space<vmem_shared>> -> memref<640xf32, #tpu.memory_space<vmem_shared>>
      tpu.enqueue_dma source(%dma_start3A_29 : memref<640xf32, #tpu.memory_space<vmem_shared>>) target(%dma_start3A_28 : memref<640xf32, #tpu.memory_space<hbm>>) target_semaphore(%run_scoped3A : memref<!tpu.dma_semaphore, #tpu.memory_space<semaphore_mem>>)
      %dma_wait3A = tpu.memref_slice %arg3[%arg0, %mul3A_27] : memref<2x10240xf32, #tpu.memory_space<hbm>> -> memref<1x640xf32, #tpu.memory_space<hbm>>
      %dma_wait3A_30 = tpu.memref_squeeze %dma_wait3A : memref<1x640xf32, #tpu.memory_space<hbm>> -> memref<640xf32, #tpu.memory_space<hbm>>
      %dma_wait3A_31 = tpu.memref_slice %arg7[%mul3A_25] : memref<10240xf32, #tpu.memory_space<vmem_shared>> -> memref<640xf32, #tpu.memory_space<vmem_shared>>
      tpu.wait_dma2 semaphore(%run_scoped3A : memref<!tpu.dma_semaphore, #tpu.memory_space<semaphore_mem>>) src(%dma_wait3A_31 : memref<640xf32, #tpu.memory_space<vmem_shared>>) dst(%dma_wait3A_30 : memref<640xf32, #tpu.memory_space<hbm>>)
      tpu.yield
    }) : () -> ()
    return
  }
}

#map = affine_map<(d0, d1) -> (0, 0)>
#map1 = affine_map<(d0, d1) -> (0, 0, 0)>
module attributes {stable_mosaic.version = 14 : i64} {
  func.func @mp_kernel(%arg0: i32, %arg1: i32, %arg2: memref<10112x128xf32, #tpu.memory_space<hbm>>, %arg3: memref<32x79x128xi32, #tpu.memory_space<hbm>>, %arg4: memref<32x79x128xi32, #tpu.memory_space<hbm>>, %arg5: memref<2x10112x128xf32, #tpu.memory_space<hbm>>, %arg6: memref<79x128xi32, #tpu.memory_space<vmem>>, %arg7: memref<79x128xi32, #tpu.memory_space<vmem>>, %arg8: memref<128x128xf32, #tpu.memory_space<vmem>>, %arg9: memref<10112x128xf32, #tpu.memory_space<vmem_shared>>, %arg10: memref<!tpu.dma_semaphore, #tpu.memory_space<semaphore_mem>>) attributes {dimension_semantics = [#tpu.dimension_semantics<core_parallel>, #tpu.dimension_semantics<subcore_parallel>], iteration_bounds = array<i64: 2, 16>, scalar_prefetch = 0 : i64, scratch_operands = 5 : i64, tpu.core_type = #tpu.core_type<sc_vector_subcore>, window_params = [{transform_indices = #map}, {transform_indices = #map1}, {transform_indices = #map1}, {transform_indices = #map1}]} {
    %mul3A = arith.constant 2 : i32
    %mul3A_0 = arith.muli %arg1, %mul3A : i32
    %add3A = arith.addi %mul3A_0, %arg0 : i32
    %mul3A_1 = arith.constant 632 : i32
    %mul3A_2 = arith.muli %arg1, %mul3A_1 : i32
    %mul3A_3 = arith.constant 632 : i32
    %mul3A_4 = arith.muli %arg1, %mul3A_3 : i32
    "tpu.region"() ({
      %run_scoped3A = tpu.sem_alloc : memref<!tpu.dma_semaphore, #tpu.memory_space<semaphore_mem>>
      %dma_start3A = arith.constant 0 : i32
      %dma_start3A_16 = tpu.memref_slice %arg9[%mul3A_4, %dma_start3A] : memref<10112x128xf32, #tpu.memory_space<vmem_shared>> -> memref<632x128xf32, #tpu.memory_space<vmem_shared>>
      %dma_start3A_17 = arith.constant 0 : i32
      %dma_start3A_18 = tpu.memref_slice %arg2[%mul3A_2, %dma_start3A_17] : memref<10112x128xf32, #tpu.memory_space<hbm>> -> memref<632x128xf32, #tpu.memory_space<hbm>>
      tpu.enqueue_dma source(%dma_start3A_18 : memref<632x128xf32, #tpu.memory_space<hbm>>) target(%dma_start3A_16 : memref<632x128xf32, #tpu.memory_space<vmem_shared>>) target_semaphore(%run_scoped3A : memref<!tpu.dma_semaphore, #tpu.memory_space<semaphore_mem>>)
      %dma_wait3A = arith.constant 0 : i32
      %dma_wait3A_19 = tpu.memref_slice %arg9[%mul3A_4, %dma_wait3A] : memref<10112x128xf32, #tpu.memory_space<vmem_shared>> -> memref<632x128xf32, #tpu.memory_space<vmem_shared>>
      %dma_wait3A_20 = arith.constant 0 : i32
      %dma_wait3A_21 = tpu.memref_slice %arg2[%mul3A_2, %dma_wait3A_20] : memref<10112x128xf32, #tpu.memory_space<hbm>> -> memref<632x128xf32, #tpu.memory_space<hbm>>
      tpu.wait_dma2 semaphore(%run_scoped3A : memref<!tpu.dma_semaphore, #tpu.memory_space<semaphore_mem>>) src(%dma_wait3A_21 : memref<632x128xf32, #tpu.memory_space<hbm>>) dst(%dma_wait3A_19 : memref<632x128xf32, #tpu.memory_space<vmem_shared>>)
      tpu.yield
    }) : () -> ()
    %barrier3A = arith.constant 0 : index
    tpu.barrier barrier_id(%barrier3A)
    "tpu.region"() ({
      %run_scoped3A = tpu.sem_alloc : memref<!tpu.dma_semaphore, #tpu.memory_space<semaphore_mem>>
      %dma_start3A = arith.constant 0 : i32
      %dma_start3A_16 = arith.constant 0 : i32
      %dma_start3A_17 = tpu.memref_slice %arg3[%add3A, %dma_start3A, %dma_start3A_16] : memref<32x79x128xi32, #tpu.memory_space<hbm>> -> memref<1x79x128xi32, #tpu.memory_space<hbm>>
      %dma_start3A_18 = tpu.memref_squeeze %dma_start3A_17 : memref<1x79x128xi32, #tpu.memory_space<hbm>> -> memref<79x128xi32, #tpu.memory_space<hbm>>
      %dma_start3A_19 = arith.constant 0 : i32
      %dma_start3A_20 = arith.constant 0 : i32
      %dma_start3A_21 = tpu.memref_slice %arg3[%add3A, %dma_start3A_19, %dma_start3A_20] : memref<32x79x128xi32, #tpu.memory_space<hbm>> -> memref<1x79x128xi32, #tpu.memory_space<hbm>>
      %dma_start3A_22 = tpu.memref_squeeze %dma_start3A_21 : memref<1x79x128xi32, #tpu.memory_space<hbm>> -> memref<79x128xi32, #tpu.memory_space<hbm>>
      tpu.enqueue_dma source(%dma_start3A_22 : memref<79x128xi32, #tpu.memory_space<hbm>>) target(%arg6 : memref<79x128xi32, #tpu.memory_space<vmem>>) target_semaphore(%run_scoped3A : memref<!tpu.dma_semaphore, #tpu.memory_space<semaphore_mem>>)
      %dma_wait3A = arith.constant 0 : i32
      %dma_wait3A_23 = arith.constant 0 : i32
      %dma_wait3A_24 = tpu.memref_slice %arg3[%add3A, %dma_wait3A, %dma_wait3A_23] : memref<32x79x128xi32, #tpu.memory_space<hbm>> -> memref<1x79x128xi32, #tpu.memory_space<hbm>>
      %dma_wait3A_25 = tpu.memref_squeeze %dma_wait3A_24 : memref<1x79x128xi32, #tpu.memory_space<hbm>> -> memref<79x128xi32, #tpu.memory_space<hbm>>
      %dma_wait3A_26 = arith.constant 0 : i32
      %dma_wait3A_27 = arith.constant 0 : i32
      %dma_wait3A_28 = tpu.memref_slice %arg3[%add3A, %dma_wait3A_26, %dma_wait3A_27] : memref<32x79x128xi32, #tpu.memory_space<hbm>> -> memref<1x79x128xi32, #tpu.memory_space<hbm>>
      %dma_wait3A_29 = tpu.memref_squeeze %dma_wait3A_28 : memref<1x79x128xi32, #tpu.memory_space<hbm>> -> memref<79x128xi32, #tpu.memory_space<hbm>>
      tpu.wait_dma2 semaphore(%run_scoped3A : memref<!tpu.dma_semaphore, #tpu.memory_space<semaphore_mem>>) src(%dma_wait3A_29 : memref<79x128xi32, #tpu.memory_space<hbm>>) dst(%arg6 : memref<79x128xi32, #tpu.memory_space<vmem>>)
      tpu.yield
    }) : () -> ()
    "tpu.region"() ({
      %run_scoped3A = tpu.sem_alloc : memref<!tpu.dma_semaphore, #tpu.memory_space<semaphore_mem>>
      %dma_start3A = arith.constant 0 : i32
      %dma_start3A_16 = arith.constant 0 : i32
      %dma_start3A_17 = tpu.memref_slice %arg4[%add3A, %dma_start3A, %dma_start3A_16] : memref<32x79x128xi32, #tpu.memory_space<hbm>> -> memref<1x79x128xi32, #tpu.memory_space<hbm>>
      %dma_start3A_18 = tpu.memref_squeeze %dma_start3A_17 : memref<1x79x128xi32, #tpu.memory_space<hbm>> -> memref<79x128xi32, #tpu.memory_space<hbm>>
      %dma_start3A_19 = arith.constant 0 : i32
      %dma_start3A_20 = arith.constant 0 : i32
      %dma_start3A_21 = tpu.memref_slice %arg4[%add3A, %dma_start3A_19, %dma_start3A_20] : memref<32x79x128xi32, #tpu.memory_space<hbm>> -> memref<1x79x128xi32, #tpu.memory_space<hbm>>
      %dma_start3A_22 = tpu.memref_squeeze %dma_start3A_21 : memref<1x79x128xi32, #tpu.memory_space<hbm>> -> memref<79x128xi32, #tpu.memory_space<hbm>>
      tpu.enqueue_dma source(%dma_start3A_22 : memref<79x128xi32, #tpu.memory_space<hbm>>) target(%arg7 : memref<79x128xi32, #tpu.memory_space<vmem>>) target_semaphore(%run_scoped3A : memref<!tpu.dma_semaphore, #tpu.memory_space<semaphore_mem>>)
      %dma_wait3A = arith.constant 0 : i32
      %dma_wait3A_23 = arith.constant 0 : i32
      %dma_wait3A_24 = tpu.memref_slice %arg4[%add3A, %dma_wait3A, %dma_wait3A_23] : memref<32x79x128xi32, #tpu.memory_space<hbm>> -> memref<1x79x128xi32, #tpu.memory_space<hbm>>
      %dma_wait3A_25 = tpu.memref_squeeze %dma_wait3A_24 : memref<1x79x128xi32, #tpu.memory_space<hbm>> -> memref<79x128xi32, #tpu.memory_space<hbm>>
      %dma_wait3A_26 = arith.constant 0 : i32
      %dma_wait3A_27 = arith.constant 0 : i32
      %dma_wait3A_28 = tpu.memref_slice %arg4[%add3A, %dma_wait3A_26, %dma_wait3A_27] : memref<32x79x128xi32, #tpu.memory_space<hbm>> -> memref<1x79x128xi32, #tpu.memory_space<hbm>>
      %dma_wait3A_29 = tpu.memref_squeeze %dma_wait3A_28 : memref<1x79x128xi32, #tpu.memory_space<hbm>> -> memref<79x128xi32, #tpu.memory_space<hbm>>
      tpu.wait_dma2 semaphore(%run_scoped3A : memref<!tpu.dma_semaphore, #tpu.memory_space<semaphore_mem>>) src(%dma_wait3A_29 : memref<79x128xi32, #tpu.memory_space<hbm>>) dst(%arg7 : memref<79x128xi32, #tpu.memory_space<vmem>>)
      tpu.yield
    }) : () -> ()
    %scan3A = arith.constant 0 : i32
    %scan3A_5 = arith.constant 0 : i32
    %scan3A_6 = arith.constant 79 : i32
    %scan3A_7 = arith.addi %scan3A_5, %scan3A_6 : i32
    %scan3A_8 = arith.constant 1 : i32
    %scan3A_9 = scf.for %scan3A_16 = %scan3A_5 to %scan3A_7 step %scan3A_8 iter_args(%scan3A_17 = %scan3A) -> (i32)  : i32 {
      %dma_start3A = arith.constant 0 : i32
      %dma_start3A_18 = tpu.memref_slice %arg6[%scan3A_16, %dma_start3A] : memref<79x128xi32, #tpu.memory_space<vmem>> -> memref<1x128xi32, #tpu.memory_space<vmem>>
      %dma_start3A_19 = tpu.memref_squeeze %dma_start3A_18 : memref<1x128xi32, #tpu.memory_space<vmem>> -> memref<128xi32, #tpu.memory_space<vmem>>
      %dma_start3A_20 = arith.constant 0 : i32
      %dma_start3A_21 = arith.constant 0 : i32
      %dma_start3A_22 = tpu.memref_slice %arg2[%dma_start3A_20, %dma_start3A_21] : memref<10112x128xf32, #tpu.memory_space<hbm>> -> memref<10112x128xf32, #tpu.memory_space<hbm>>
      tpu.enqueue_indirect_dma source(%dma_start3A_22 : memref<10112x128xf32, #tpu.memory_space<hbm>>) target(%arg8 : memref<128x128xf32, #tpu.memory_space<vmem>>) offsets(%dma_start3A_19 : memref<128xi32, #tpu.memory_space<vmem>>) semaphore(%arg10 : memref<!tpu.dma_semaphore, #tpu.memory_space<semaphore_mem>>)
      %dma_wait3A = arith.constant 0 : i32
      %dma_wait3A_23 = tpu.memref_slice %arg6[%scan3A_16, %dma_wait3A] : memref<79x128xi32, #tpu.memory_space<vmem>> -> memref<1x128xi32, #tpu.memory_space<vmem>>
      %dma_wait3A_24 = tpu.memref_squeeze %dma_wait3A_23 : memref<1x128xi32, #tpu.memory_space<vmem>> -> memref<128xi32, #tpu.memory_space<vmem>>
      %dma_wait3A_25 = arith.constant 0 : i32
      %dma_wait3A_26 = arith.constant 0 : i32
      %dma_wait3A_27 = tpu.memref_slice %arg2[%dma_wait3A_25, %dma_wait3A_26] : memref<10112x128xf32, #tpu.memory_space<hbm>> -> memref<10112x128xf32, #tpu.memory_space<hbm>>
      tpu.wait_indirect_dma semaphore(%arg10 : memref<!tpu.dma_semaphore, #tpu.memory_space<semaphore_mem>>) src(%dma_wait3A_27 : memref<10112x128xf32, #tpu.memory_space<hbm>>) dst(%arg8 : memref<128x128xf32, #tpu.memory_space<vmem>>)
      "tpu.region"() ({
        %run_scoped3A = tpu.sem_alloc : memref<!tpu.dma_semaphore, #tpu.memory_space<semaphore_mem>>
        %dma_start3A_29 = arith.constant 0 : i32
        %dma_start3A_30 = tpu.memref_slice %arg7[%scan3A_16, %dma_start3A_29] : memref<79x128xi32, #tpu.memory_space<vmem>> -> memref<1x128xi32, #tpu.memory_space<vmem>>
        %dma_start3A_31 = tpu.memref_squeeze %dma_start3A_30 : memref<1x128xi32, #tpu.memory_space<vmem>> -> memref<128xi32, #tpu.memory_space<vmem>>
        %dma_start3A_32 = arith.constant 0 : i32
        %dma_start3A_33 = arith.constant 0 : i32
        %dma_start3A_34 = tpu.memref_slice %arg9[%dma_start3A_32, %dma_start3A_33] : memref<10112x128xf32, #tpu.memory_space<vmem_shared>> -> memref<10112x128xf32, #tpu.memory_space<vmem_shared>>
        tpu.enqueue_indirect_dma source(%arg8 : memref<128x128xf32, #tpu.memory_space<vmem>>) target(%dma_start3A_34 : memref<10112x128xf32, #tpu.memory_space<vmem_shared>>) offsets(%dma_start3A_31 : memref<128xi32, #tpu.memory_space<vmem>>) semaphore(%run_scoped3A : memref<!tpu.dma_semaphore, #tpu.memory_space<semaphore_mem>>) {add = true}
        %dma_wait3A_35 = arith.constant 0 : i32
        %dma_wait3A_36 = tpu.memref_slice %arg7[%scan3A_16, %dma_wait3A_35] : memref<79x128xi32, #tpu.memory_space<vmem>> -> memref<1x128xi32, #tpu.memory_space<vmem>>
        %dma_wait3A_37 = tpu.memref_squeeze %dma_wait3A_36 : memref<1x128xi32, #tpu.memory_space<vmem>> -> memref<128xi32, #tpu.memory_space<vmem>>
        %dma_wait3A_38 = arith.constant 0 : i32
        %dma_wait3A_39 = arith.constant 0 : i32
        %dma_wait3A_40 = tpu.memref_slice %arg9[%dma_wait3A_38, %dma_wait3A_39] : memref<10112x128xf32, #tpu.memory_space<vmem_shared>> -> memref<10112x128xf32, #tpu.memory_space<vmem_shared>>
        tpu.wait_indirect_dma semaphore(%run_scoped3A : memref<!tpu.dma_semaphore, #tpu.memory_space<semaphore_mem>>) src(%arg8 : memref<128x128xf32, #tpu.memory_space<vmem>>) dst(%dma_wait3A_40 : memref<10112x128xf32, #tpu.memory_space<vmem_shared>>)
        tpu.yield
      }) : () -> ()
      %scan3A_28 = arith.constant 0 : i32
      scf.yield %scan3A_28 : i32
    }
    %scan3A_10 = arith.constant 79 : i32
    %barrier3A_11 = arith.constant 0 : index
    tpu.barrier barrier_id(%barrier3A_11)
    %mul3A_12 = arith.constant 632 : i32
    %mul3A_13 = arith.muli %arg1, %mul3A_12 : i32
    %mul3A_14 = arith.constant 632 : i32
    %mul3A_15 = arith.muli %arg1, %mul3A_14 : i32
    "tpu.region"() ({
      %run_scoped3A = tpu.sem_alloc : memref<!tpu.dma_semaphore, #tpu.memory_space<semaphore_mem>>
      %dma_start3A = arith.constant 0 : i32
      %dma_start3A_16 = tpu.memref_slice %arg5[%arg0, %mul3A_15, %dma_start3A] : memref<2x10112x128xf32, #tpu.memory_space<hbm>> -> memref<1x632x128xf32, #tpu.memory_space<hbm>>
      %dma_start3A_17 = tpu.memref_squeeze %dma_start3A_16 : memref<1x632x128xf32, #tpu.memory_space<hbm>> -> memref<632x128xf32, #tpu.memory_space<hbm>>
      %dma_start3A_18 = arith.constant 0 : i32
      %dma_start3A_19 = tpu.memref_slice %arg9[%mul3A_13, %dma_start3A_18] : memref<10112x128xf32, #tpu.memory_space<vmem_shared>> -> memref<632x128xf32, #tpu.memory_space<vmem_shared>>
      tpu.enqueue_dma source(%dma_start3A_19 : memref<632x128xf32, #tpu.memory_space<vmem_shared>>) target(%dma_start3A_17 : memref<632x128xf32, #tpu.memory_space<hbm>>) target_semaphore(%run_scoped3A : memref<!tpu.dma_semaphore, #tpu.memory_space<semaphore_mem>>)
      %dma_wait3A = arith.constant 0 : i32
      %dma_wait3A_20 = tpu.memref_slice %arg5[%arg0, %mul3A_15, %dma_wait3A] : memref<2x10112x128xf32, #tpu.memory_space<hbm>> -> memref<1x632x128xf32, #tpu.memory_space<hbm>>
      %dma_wait3A_21 = tpu.memref_squeeze %dma_wait3A_20 : memref<1x632x128xf32, #tpu.memory_space<hbm>> -> memref<632x128xf32, #tpu.memory_space<hbm>>
      %dma_wait3A_22 = arith.constant 0 : i32
      %dma_wait3A_23 = tpu.memref_slice %arg9[%mul3A_13, %dma_wait3A_22] : memref<10112x128xf32, #tpu.memory_space<vmem_shared>> -> memref<632x128xf32, #tpu.memory_space<vmem_shared>>
      tpu.wait_dma2 semaphore(%run_scoped3A : memref<!tpu.dma_semaphore, #tpu.memory_space<semaphore_mem>>) src(%dma_wait3A_23 : memref<632x128xf32, #tpu.memory_space<vmem_shared>>) dst(%dma_wait3A_21 : memref<632x128xf32, #tpu.memory_space<hbm>>)
      tpu.yield
    }) : () -> ()
    return
  }
}

#map = affine_map<(d0, d1) -> (0, 0)>
#map1 = affine_map<(d0, d1) -> (0, 0, 0)>
module attributes {stable_mosaic.version = 14 : i64} {
  func.func @mp_kernel(%arg0: i32, %arg1: i32, %arg2: memref<10112x128xf32, #tpu.memory_space<hbm>>, %arg3: memref<32x79x128xi32, #tpu.memory_space<hbm>>, %arg4: memref<32x79x128xi32, #tpu.memory_space<hbm>>, %arg5: memref<2x10112x128xf32, #tpu.memory_space<hbm>>, %arg6: memref<79x128xi32, #tpu.memory_space<vmem>>, %arg7: memref<79x128xi32, #tpu.memory_space<vmem>>, %arg8: memref<128x128xf32, #tpu.memory_space<vmem>>, %arg9: memref<10112x128xf32, #tpu.memory_space<vmem_shared>>, %arg10: memref<!tpu.dma_semaphore, #tpu.memory_space<semaphore_mem>>) attributes {dimension_semantics = [#tpu.dimension_semantics<core_parallel>, #tpu.dimension_semantics<subcore_parallel>], iteration_bounds = array<i64: 2, 16>, scalar_prefetch = 0 : i64, scratch_operands = 5 : i64, tpu.core_type = #tpu.core_type<sc_vector_subcore>, window_params = [{transform_indices = #map}, {transform_indices = #map1}, {transform_indices = #map1}, {transform_indices = #map1}]} {
    %mul3A = arith.constant 2 : i32
    %mul3A_0 = arith.muli %arg1, %mul3A : i32
    %add3A = arith.addi %mul3A_0, %arg0 : i32
    %mul3A_1 = arith.constant 632 : i32
    %mul3A_2 = arith.muli %arg1, %mul3A_1 : i32
    %mul3A_3 = arith.constant 632 : i32
    %mul3A_4 = arith.muli %arg1, %mul3A_3 : i32
    "tpu.region"() ({
      %run_scoped3A = tpu.sem_alloc : memref<!tpu.dma_semaphore, #tpu.memory_space<semaphore_mem>>
      %dma_start3A = arith.constant 0 : i32
      %dma_start3A_16 = tpu.memref_slice %arg9[%mul3A_4, %dma_start3A] : memref<10112x128xf32, #tpu.memory_space<vmem_shared>> -> memref<632x128xf32, #tpu.memory_space<vmem_shared>>
      %dma_start3A_17 = arith.constant 0 : i32
      %dma_start3A_18 = tpu.memref_slice %arg2[%mul3A_2, %dma_start3A_17] : memref<10112x128xf32, #tpu.memory_space<hbm>> -> memref<632x128xf32, #tpu.memory_space<hbm>>
      tpu.enqueue_dma source(%dma_start3A_18 : memref<632x128xf32, #tpu.memory_space<hbm>>) target(%dma_start3A_16 : memref<632x128xf32, #tpu.memory_space<vmem_shared>>) target_semaphore(%run_scoped3A : memref<!tpu.dma_semaphore, #tpu.memory_space<semaphore_mem>>)
      %dma_wait3A = arith.constant 0 : i32
      %dma_wait3A_19 = tpu.memref_slice %arg9[%mul3A_4, %dma_wait3A] : memref<10112x128xf32, #tpu.memory_space<vmem_shared>> -> memref<632x128xf32, #tpu.memory_space<vmem_shared>>
      %dma_wait3A_20 = arith.constant 0 : i32
      %dma_wait3A_21 = tpu.memref_slice %arg2[%mul3A_2, %dma_wait3A_20] : memref<10112x128xf32, #tpu.memory_space<hbm>> -> memref<632x128xf32, #tpu.memory_space<hbm>>
      tpu.wait_dma2 semaphore(%run_scoped3A : memref<!tpu.dma_semaphore, #tpu.memory_space<semaphore_mem>>) src(%dma_wait3A_21 : memref<632x128xf32, #tpu.memory_space<hbm>>) dst(%dma_wait3A_19 : memref<632x128xf32, #tpu.memory_space<vmem_shared>>)
      tpu.yield
    }) : () -> ()
    %barrier3A = arith.constant 0 : index
    tpu.barrier barrier_id(%barrier3A)
    "tpu.region"() ({
      %run_scoped3A = tpu.sem_alloc : memref<!tpu.dma_semaphore, #tpu.memory_space<semaphore_mem>>
      %dma_start3A = arith.constant 0 : i32
      %dma_start3A_16 = arith.constant 0 : i32
      %dma_start3A_17 = tpu.memref_slice %arg3[%add3A, %dma_start3A, %dma_start3A_16] : memref<32x79x128xi32, #tpu.memory_space<hbm>> -> memref<1x79x128xi32, #tpu.memory_space<hbm>>
      %dma_start3A_18 = tpu.memref_squeeze %dma_start3A_17 : memref<1x79x128xi32, #tpu.memory_space<hbm>> -> memref<79x128xi32, #tpu.memory_space<hbm>>
      %dma_start3A_19 = arith.constant 0 : i32
      %dma_start3A_20 = arith.constant 0 : i32
      %dma_start3A_21 = tpu.memref_slice %arg3[%add3A, %dma_start3A_19, %dma_start3A_20] : memref<32x79x128xi32, #tpu.memory_space<hbm>> -> memref<1x79x128xi32, #tpu.memory_space<hbm>>
      %dma_start3A_22 = tpu.memref_squeeze %dma_start3A_21 : memref<1x79x128xi32, #tpu.memory_space<hbm>> -> memref<79x128xi32, #tpu.memory_space<hbm>>
      tpu.enqueue_dma source(%dma_start3A_22 : memref<79x128xi32, #tpu.memory_space<hbm>>) target(%arg6 : memref<79x128xi32, #tpu.memory_space<vmem>>) target_semaphore(%run_scoped3A : memref<!tpu.dma_semaphore, #tpu.memory_space<semaphore_mem>>)
      %dma_wait3A = arith.constant 0 : i32
      %dma_wait3A_23 = arith.constant 0 : i32
      %dma_wait3A_24 = tpu.memref_slice %arg3[%add3A, %dma_wait3A, %dma_wait3A_23] : memref<32x79x128xi32, #tpu.memory_space<hbm>> -> memref<1x79x128xi32, #tpu.memory_space<hbm>>
      %dma_wait3A_25 = tpu.memref_squeeze %dma_wait3A_24 : memref<1x79x128xi32, #tpu.memory_space<hbm>> -> memref<79x128xi32, #tpu.memory_space<hbm>>
      %dma_wait3A_26 = arith.constant 0 : i32
      %dma_wait3A_27 = arith.constant 0 : i32
      %dma_wait3A_28 = tpu.memref_slice %arg3[%add3A, %dma_wait3A_26, %dma_wait3A_27] : memref<32x79x128xi32, #tpu.memory_space<hbm>> -> memref<1x79x128xi32, #tpu.memory_space<hbm>>
      %dma_wait3A_29 = tpu.memref_squeeze %dma_wait3A_28 : memref<1x79x128xi32, #tpu.memory_space<hbm>> -> memref<79x128xi32, #tpu.memory_space<hbm>>
      tpu.wait_dma2 semaphore(%run_scoped3A : memref<!tpu.dma_semaphore, #tpu.memory_space<semaphore_mem>>) src(%dma_wait3A_29 : memref<79x128xi32, #tpu.memory_space<hbm>>) dst(%arg6 : memref<79x128xi32, #tpu.memory_space<vmem>>)
      tpu.yield
    }) : () -> ()
    "tpu.region"() ({
      %run_scoped3A = tpu.sem_alloc : memref<!tpu.dma_semaphore, #tpu.memory_space<semaphore_mem>>
      %dma_start3A = arith.constant 0 : i32
      %dma_start3A_16 = arith.constant 0 : i32
      %dma_start3A_17 = tpu.memref_slice %arg4[%add3A, %dma_start3A, %dma_start3A_16] : memref<32x79x128xi32, #tpu.memory_space<hbm>> -> memref<1x79x128xi32, #tpu.memory_space<hbm>>
      %dma_start3A_18 = tpu.memref_squeeze %dma_start3A_17 : memref<1x79x128xi32, #tpu.memory_space<hbm>> -> memref<79x128xi32, #tpu.memory_space<hbm>>
      %dma_start3A_19 = arith.constant 0 : i32
      %dma_start3A_20 = arith.constant 0 : i32
      %dma_start3A_21 = tpu.memref_slice %arg4[%add3A, %dma_start3A_19, %dma_start3A_20] : memref<32x79x128xi32, #tpu.memory_space<hbm>> -> memref<1x79x128xi32, #tpu.memory_space<hbm>>
      %dma_start3A_22 = tpu.memref_squeeze %dma_start3A_21 : memref<1x79x128xi32, #tpu.memory_space<hbm>> -> memref<79x128xi32, #tpu.memory_space<hbm>>
      tpu.enqueue_dma source(%dma_start3A_22 : memref<79x128xi32, #tpu.memory_space<hbm>>) target(%arg7 : memref<79x128xi32, #tpu.memory_space<vmem>>) target_semaphore(%run_scoped3A : memref<!tpu.dma_semaphore, #tpu.memory_space<semaphore_mem>>)
      %dma_wait3A = arith.constant 0 : i32
      %dma_wait3A_23 = arith.constant 0 : i32
      %dma_wait3A_24 = tpu.memref_slice %arg4[%add3A, %dma_wait3A, %dma_wait3A_23] : memref<32x79x128xi32, #tpu.memory_space<hbm>> -> memref<1x79x128xi32, #tpu.memory_space<hbm>>
      %dma_wait3A_25 = tpu.memref_squeeze %dma_wait3A_24 : memref<1x79x128xi32, #tpu.memory_space<hbm>> -> memref<79x128xi32, #tpu.memory_space<hbm>>
      %dma_wait3A_26 = arith.constant 0 : i32
      %dma_wait3A_27 = arith.constant 0 : i32
      %dma_wait3A_28 = tpu.memref_slice %arg4[%add3A, %dma_wait3A_26, %dma_wait3A_27] : memref<32x79x128xi32, #tpu.memory_space<hbm>> -> memref<1x79x128xi32, #tpu.memory_space<hbm>>
      %dma_wait3A_29 = tpu.memref_squeeze %dma_wait3A_28 : memref<1x79x128xi32, #tpu.memory_space<hbm>> -> memref<79x128xi32, #tpu.memory_space<hbm>>
      tpu.wait_dma2 semaphore(%run_scoped3A : memref<!tpu.dma_semaphore, #tpu.memory_space<semaphore_mem>>) src(%dma_wait3A_29 : memref<79x128xi32, #tpu.memory_space<hbm>>) dst(%arg7 : memref<79x128xi32, #tpu.memory_space<vmem>>)
      tpu.yield
    }) : () -> ()
    %scan3A = arith.constant 0 : i32
    %scan3A_5 = arith.constant 0 : i32
    %scan3A_6 = arith.constant 79 : i32
    %scan3A_7 = arith.addi %scan3A_5, %scan3A_6 : i32
    %scan3A_8 = arith.constant 1 : i32
    %scan3A_9 = scf.for %scan3A_16 = %scan3A_5 to %scan3A_7 step %scan3A_8 iter_args(%scan3A_17 = %scan3A) -> (i32)  : i32 {
      %dma_start3A = arith.constant 0 : i32
      %dma_start3A_18 = tpu.memref_slice %arg6[%scan3A_16, %dma_start3A] : memref<79x128xi32, #tpu.memory_space<vmem>> -> memref<1x128xi32, #tpu.memory_space<vmem>>
      %dma_start3A_19 = tpu.memref_squeeze %dma_start3A_18 : memref<1x128xi32, #tpu.memory_space<vmem>> -> memref<128xi32, #tpu.memory_space<vmem>>
      %dma_start3A_20 = arith.constant 0 : i32
      %dma_start3A_21 = arith.constant 0 : i32
      %dma_start3A_22 = tpu.memref_slice %arg2[%dma_start3A_20, %dma_start3A_21] : memref<10112x128xf32, #tpu.memory_space<hbm>> -> memref<10112x128xf32, #tpu.memory_space<hbm>>
      tpu.enqueue_indirect_dma source(%dma_start3A_22 : memref<10112x128xf32, #tpu.memory_space<hbm>>) target(%arg8 : memref<128x128xf32, #tpu.memory_space<vmem>>) offsets(%dma_start3A_19 : memref<128xi32, #tpu.memory_space<vmem>>) semaphore(%arg10 : memref<!tpu.dma_semaphore, #tpu.memory_space<semaphore_mem>>)
      %dma_wait3A = arith.constant 0 : i32
      %dma_wait3A_23 = tpu.memref_slice %arg6[%scan3A_16, %dma_wait3A] : memref<79x128xi32, #tpu.memory_space<vmem>> -> memref<1x128xi32, #tpu.memory_space<vmem>>
      %dma_wait3A_24 = tpu.memref_squeeze %dma_wait3A_23 : memref<1x128xi32, #tpu.memory_space<vmem>> -> memref<128xi32, #tpu.memory_space<vmem>>
      %dma_wait3A_25 = arith.constant 0 : i32
      %dma_wait3A_26 = arith.constant 0 : i32
      %dma_wait3A_27 = tpu.memref_slice %arg2[%dma_wait3A_25, %dma_wait3A_26] : memref<10112x128xf32, #tpu.memory_space<hbm>> -> memref<10112x128xf32, #tpu.memory_space<hbm>>
      tpu.wait_indirect_dma semaphore(%arg10 : memref<!tpu.dma_semaphore, #tpu.memory_space<semaphore_mem>>) src(%dma_wait3A_27 : memref<10112x128xf32, #tpu.memory_space<hbm>>) dst(%arg8 : memref<128x128xf32, #tpu.memory_space<vmem>>)
      "tpu.region"() ({
        %run_scoped3A = tpu.sem_alloc : memref<!tpu.dma_semaphore, #tpu.memory_space<semaphore_mem>>
        %dma_start3A_29 = arith.constant 0 : i32
        %dma_start3A_30 = tpu.memref_slice %arg7[%scan3A_16, %dma_start3A_29] : memref<79x128xi32, #tpu.memory_space<vmem>> -> memref<1x128xi32, #tpu.memory_space<vmem>>
        %dma_start3A_31 = tpu.memref_squeeze %dma_start3A_30 : memref<1x128xi32, #tpu.memory_space<vmem>> -> memref<128xi32, #tpu.memory_space<vmem>>
        %dma_start3A_32 = arith.constant 0 : i32
        %dma_start3A_33 = arith.constant 0 : i32
        %dma_start3A_34 = tpu.memref_slice %arg9[%dma_start3A_32, %dma_start3A_33] : memref<10112x128xf32, #tpu.memory_space<vmem_shared>> -> memref<10112x128xf32, #tpu.memory_space<vmem_shared>>
        tpu.enqueue_indirect_dma source(%arg8 : memref<128x128xf32, #tpu.memory_space<vmem>>) target(%dma_start3A_34 : memref<10112x128xf32, #tpu.memory_space<vmem_shared>>) offsets(%dma_start3A_31 : memref<128xi32, #tpu.memory_space<vmem>>) semaphore(%run_scoped3A : memref<!tpu.dma_semaphore, #tpu.memory_space<semaphore_mem>>) {add = true}
        %dma_wait3A_35 = arith.constant 0 : i32
        %dma_wait3A_36 = tpu.memref_slice %arg7[%scan3A_16, %dma_wait3A_35] : memref<79x128xi32, #tpu.memory_space<vmem>> -> memref<1x128xi32, #tpu.memory_space<vmem>>
        %dma_wait3A_37 = tpu.memref_squeeze %dma_wait3A_36 : memref<1x128xi32, #tpu.memory_space<vmem>> -> memref<128xi32, #tpu.memory_space<vmem>>
        %dma_wait3A_38 = arith.constant 0 : i32
        %dma_wait3A_39 = arith.constant 0 : i32
        %dma_wait3A_40 = tpu.memref_slice %arg9[%dma_wait3A_38, %dma_wait3A_39] : memref<10112x128xf32, #tpu.memory_space<vmem_shared>> -> memref<10112x128xf32, #tpu.memory_space<vmem_shared>>
        tpu.wait_indirect_dma semaphore(%run_scoped3A : memref<!tpu.dma_semaphore, #tpu.memory_space<semaphore_mem>>) src(%arg8 : memref<128x128xf32, #tpu.memory_space<vmem>>) dst(%dma_wait3A_40 : memref<10112x128xf32, #tpu.memory_space<vmem_shared>>)
        tpu.yield
      }) : () -> ()
      %scan3A_28 = arith.constant 0 : i32
      scf.yield %scan3A_28 : i32
    }
    %scan3A_10 = arith.constant 79 : i32
    %barrier3A_11 = arith.constant 0 : index
    tpu.barrier barrier_id(%barrier3A_11)
    %mul3A_12 = arith.constant 632 : i32
    %mul3A_13 = arith.muli %arg1, %mul3A_12 : i32
    %mul3A_14 = arith.constant 632 : i32
    %mul3A_15 = arith.muli %arg1, %mul3A_14 : i32
    "tpu.region"() ({
      %run_scoped3A = tpu.sem_alloc : memref<!tpu.dma_semaphore, #tpu.memory_space<semaphore_mem>>
      %dma_start3A = arith.constant 0 : i32
      %dma_start3A_16 = tpu.memref_slice %arg5[%arg0, %mul3A_15, %dma_start3A] : memref<2x10112x128xf32, #tpu.memory_space<hbm>> -> memref<1x632x128xf32, #tpu.memory_space<hbm>>
      %dma_start3A_17 = tpu.memref_squeeze %dma_start3A_16 : memref<1x632x128xf32, #tpu.memory_space<hbm>> -> memref<632x128xf32, #tpu.memory_space<hbm>>
      %dma_start3A_18 = arith.constant 0 : i32
      %dma_start3A_19 = tpu.memref_slice %arg9[%mul3A_13, %dma_start3A_18] : memref<10112x128xf32, #tpu.memory_space<vmem_shared>> -> memref<632x128xf32, #tpu.memory_space<vmem_shared>>
      tpu.enqueue_dma source(%dma_start3A_19 : memref<632x128xf32, #tpu.memory_space<vmem_shared>>) target(%dma_start3A_17 : memref<632x128xf32, #tpu.memory_space<hbm>>) target_semaphore(%run_scoped3A : memref<!tpu.dma_semaphore, #tpu.memory_space<semaphore_mem>>)
      %dma_wait3A = arith.constant 0 : i32
      %dma_wait3A_20 = tpu.memref_slice %arg5[%arg0, %mul3A_15, %dma_wait3A] : memref<2x10112x128xf32, #tpu.memory_space<hbm>> -> memref<1x632x128xf32, #tpu.memory_space<hbm>>
      %dma_wait3A_21 = tpu.memref_squeeze %dma_wait3A_20 : memref<1x632x128xf32, #tpu.memory_space<hbm>> -> memref<632x128xf32, #tpu.memory_space<hbm>>
      %dma_wait3A_22 = arith.constant 0 : i32
      %dma_wait3A_23 = tpu.memref_slice %arg9[%mul3A_13, %dma_wait3A_22] : memref<10112x128xf32, #tpu.memory_space<vmem_shared>> -> memref<632x128xf32, #tpu.memory_space<vmem_shared>>
      tpu.wait_dma2 semaphore(%run_scoped3A : memref<!tpu.dma_semaphore, #tpu.memory_space<semaphore_mem>>) src(%dma_wait3A_23 : memref<632x128xf32, #tpu.memory_space<vmem_shared>>) dst(%dma_wait3A_21 : memref<632x128xf32, #tpu.memory_space<hbm>>)
      tpu.yield
    }) : () -> ()
    return
  }
}

module attributes {stable_mosaic.version = 14 : i64} {
  func.func @_t1_body(%arg0: i32, %arg1: memref<1000x128xf32, #tpu.memory_space<vmem>>, %arg2: memref<128x128xf32, #tpu.memory_space<vmem>>, %arg3: memref<1000x1xf32, #tpu.memory_space<vmem>>, %arg4: memref<1000x1xf32, #tpu.memory_space<vmem>>, %arg5: memref<1000x128xf32, #tpu.memory_space<vmem>>, %arg6: memref<1000x1xf32, #tpu.memory_space<vmem>>) attributes {dimension_semantics = [#tpu.dimension_semantics<arbitrary>], iteration_bounds = array<i64: 10>, scalar_prefetch = 0 : i64, scratch_operands = 0 : i64, tpu.core_type = #tpu.core_type<tc>, window_params = [{transform_indices = @transform_0, window_bounds = array<i64: 1000, 128>}, {pipeline_mode = #tpu.pipeline_mode<synchronous>, transform_indices = @transform_1, window_bounds = array<i64: 128, 128>}, {transform_indices = @transform_2, window_bounds = array<i64: 1000, 1>}, {transform_indices = @transform_3, window_bounds = array<i64: 1000, 1>}, {transform_indices = @transform_4, window_bounds = array<i64: 1000, 128>}, {transform_indices = @transform_5, window_bounds = array<i64: 1000, 1>}]} {
    %get3A = arith.constant 0 : index
    %get3A_0 = arith.constant 0 : index
    %get3A_1 = vector.load %arg3[%get3A, %get3A_0] : memref<1000x1xf32, #tpu.memory_space<vmem>>, vector<1000x1xf32>
    %get3A_2 = arith.constant 0 : index
    %get3A_3 = arith.constant 0 : index
    %get3A_4 = vector.load %arg4[%get3A_2, %get3A_3] : memref<1000x1xf32, #tpu.memory_space<vmem>>, vector<1000x1xf32>
    %add3A = arith.addf %get3A_1, %get3A_4 : vector<1000x1xf32>
    %add3A_5 = arith.constant 1.000000e+00 : f32
    %add3A_6 = vector.broadcast %add3A_5 : f32 to vector<1000x1xf32>
    %add3A_7 = arith.addf %add3A, %add3A_6 : vector<1000x1xf32>
    %rsqrt3A = math.rsqrt %add3A_7 : vector<1000x1xf32>
    %get3A_8 = arith.constant 0 : index
    %get3A_9 = arith.constant 0 : index
    %get3A_10 = vector.load %arg1[%get3A_8, %get3A_9] : memref<1000x128xf32, #tpu.memory_space<vmem>>, vector<1000x128xf32>
    %get3A_11 = arith.constant 0 : index
    %get3A_12 = arith.constant 0 : index
    %get3A_13 = vector.load %arg2[%get3A_11, %get3A_12] : memref<128x128xf32, #tpu.memory_space<vmem>>, vector<128x128xf32>
    %dot_general3A = arith.constant dense<0.000000e+00> : vector<1000x128xf32>
    %dot_general3A_14 = tpu.matmul %get3A_10, %get3A_13, %dot_general3A {dimension_numbers = #tpu.dot_dimension_numbers<[1], [0], [0], [1], [0, 0, 1, 1], [], []>, transpose_lhs_hint = false} : vector<1000x128xf32>, vector<128x128xf32>, vector<1000x128xf32> -> vector<1000x128xf32>
    %mul3A = vector.broadcast %rsqrt3A : vector<1000x1xf32> to vector<1000x128xf32>
    %mul3A_15 = arith.mulf %mul3A, %dot_general3A_14 : vector<1000x128xf32>
    %swap3A = arith.constant 0 : index
    %swap3A_16 = arith.constant 0 : index
    %swap3A_17 = vector.load %arg5[%swap3A, %swap3A_16] : memref<1000x128xf32, #tpu.memory_space<vmem>>, vector<1000x128xf32>
    tpu.vector_store %arg5[%swap3A, %swap3A_16], %mul3A_15 {strides = array<i32>} : memref<1000x128xf32, #tpu.memory_space<vmem>>, vector<1000x128xf32>,
    %swap3A_18 = arith.constant 0 : index
    %swap3A_19 = arith.constant 0 : index
    %swap3A_20 = vector.load %arg6[%swap3A_18, %swap3A_19] : memref<1000x1xf32, #tpu.memory_space<vmem>>, vector<1000x1xf32>
    tpu.vector_store %arg6[%swap3A_18, %swap3A_19], %rsqrt3A {strides = array<i32>} : memref<1000x1xf32, #tpu.memory_space<vmem>>, vector<1000x1xf32>,
    return
  }
  func.func @transform_0(%arg0: i32) -> (i32, i32) {
    %c0_i32 = arith.constant 0 : i32
    %c0_i32_0 = arith.constant 0 : i32
    return %arg0, %c0_i32 : i32, i32
  }
  func.func @transform_1(%arg0: i32) -> (i32, i32) {
    %c0_i32 = arith.constant 0 : i32
    %c0_i32_0 = arith.constant 0 : i32
    %c0_i32_1 = arith.constant 0 : i32
    return %c0_i32, %c0_i32_0 : i32, i32
  }
  func.func @transform_2(%arg0: i32) -> (i32, i32) {
    %c0_i32 = arith.constant 0 : i32
    %c0_i32_0 = arith.constant 0 : i32
    return %arg0, %c0_i32 : i32, i32
  }
  func.func @transform_3(%arg0: i32) -> (i32, i32) {
    %c0_i32 = arith.constant 0 : i32
    %c0_i32_0 = arith.constant 0 : i32
    return %arg0, %c0_i32 : i32, i32
  }
  func.func @transform_4(%arg0: i32) -> (i32, i32) {
    %c0_i32 = arith.constant 0 : i32
    %c0_i32_0 = arith.constant 0 : i32
    return %arg0, %c0_i32 : i32, i32
  }
  func.func @transform_5(%arg0: i32) -> (i32, i32) {
    %c0_i32 = arith.constant 0 : i32
    %c0_i32_0 = arith.constant 0 : i32
    return %arg0, %c0_i32 : i32, i32
  }
}

module attributes {stable_mosaic.version = 14 : i64} {
  func.func @_t2_body(%arg0: i32, %arg1: memref<1000x128xf32, #tpu.memory_space<vmem>>, %arg2: memref<1000x128xf32, #tpu.memory_space<vmem>>, %arg3: memref<1000x128xf32, #tpu.memory_space<vmem>>, %arg4: memref<1000x1xf32, #tpu.memory_space<vmem>>, %arg5: memref<1x128xf32, #tpu.memory_space<vmem>>, %arg6: memref<128x128xf32, #tpu.memory_space<vmem>>, %arg7: memref<1000x128xf32, #tpu.memory_space<vmem>>) attributes {dimension_semantics = [#tpu.dimension_semantics<arbitrary>], iteration_bounds = array<i64: 10>, scalar_prefetch = 0 : i64, scratch_operands = 0 : i64, tpu.core_type = #tpu.core_type<tc>, window_params = [{transform_indices = @transform_0, window_bounds = array<i64: 1000, 128>}, {transform_indices = @transform_1, window_bounds = array<i64: 1000, 128>}, {transform_indices = @transform_2, window_bounds = array<i64: 1000, 128>}, {transform_indices = @transform_3, window_bounds = array<i64: 1000, 1>}, {pipeline_mode = #tpu.pipeline_mode<synchronous>, transform_indices = @transform_4, window_bounds = array<i64: 1, 128>}, {pipeline_mode = #tpu.pipeline_mode<synchronous>, transform_indices = @transform_5, window_bounds = array<i64: 128, 128>}, {transform_indices = @transform_6, window_bounds = array<i64: 1000, 128>}]} {
    %get3A = arith.constant 0 : index
    %get3A_0 = arith.constant 0 : index
    %get3A_1 = vector.load %arg4[%get3A, %get3A_0] : memref<1000x1xf32, #tpu.memory_space<vmem>>, vector<1000x1xf32>
    %get3A_2 = arith.constant 0 : index
    %get3A_3 = arith.constant 0 : index
    %get3A_4 = vector.load %arg1[%get3A_2, %get3A_3] : memref<1000x128xf32, #tpu.memory_space<vmem>>, vector<1000x128xf32>
    %get3A_5 = arith.constant 0 : index
    %get3A_6 = arith.constant 0 : index
    %get3A_7 = vector.load %arg2[%get3A_5, %get3A_6] : memref<1000x128xf32, #tpu.memory_space<vmem>>, vector<1000x128xf32>
    %add3A = arith.addf %get3A_4, %get3A_7 : vector<1000x128xf32>
    %get3A_8 = arith.constant 0 : index
    %get3A_9 = arith.constant 0 : index
    %get3A_10 = vector.load %arg3[%get3A_8, %get3A_9] : memref<1000x128xf32, #tpu.memory_space<vmem>>, vector<1000x128xf32>
    %sub3A = arith.subf %add3A, %get3A_10 : vector<1000x128xf32>
    %mul3A = vector.broadcast %get3A_1 : vector<1000x1xf32> to vector<1000x128xf32>
    %mul3A_11 = arith.mulf %mul3A, %sub3A : vector<1000x128xf32>
    %get3A_12 = arith.constant 0 : index
    %get3A_13 = arith.constant 0 : index
    %get3A_14 = vector.load %arg5[%get3A_12, %get3A_13] : memref<1x128xf32, #tpu.memory_space<vmem>>, vector<1x128xf32>
    %add3A_15 = vector.broadcast %get3A_14 : vector<1x128xf32> to vector<1000x128xf32>
    %add3A_16 = arith.addf %mul3A_11, %add3A_15 : vector<1000x128xf32>
    %max3A = arith.constant 0.000000e+00 : f32
    %max3A_17 = vector.broadcast %max3A : f32 to vector<1000x128xf32>
    %max3A_18 = arith.maximumf %add3A_16, %max3A_17 : vector<1000x128xf32>
    %get3A_19 = arith.constant 0 : index
    %get3A_20 = arith.constant 0 : index
    %get3A_21 = vector.load %arg6[%get3A_19, %get3A_20] : memref<128x128xf32, #tpu.memory_space<vmem>>, vector<128x128xf32>
    %dot_general3A = arith.constant dense<0.000000e+00> : vector<1000x128xf32>
    %dot_general3A_22 = tpu.matmul %max3A_18, %get3A_21, %dot_general3A {dimension_numbers = #tpu.dot_dimension_numbers<[1], [0], [0], [1], [0, 0, 1, 1], [], []>, transpose_lhs_hint = false} : vector<1000x128xf32>, vector<128x128xf32>, vector<1000x128xf32> -> vector<1000x128xf32>
    %mul3A_23 = vector.broadcast %get3A_1 : vector<1000x1xf32> to vector<1000x128xf32>
    %mul3A_24 = arith.mulf %mul3A_23, %dot_general3A_22 : vector<1000x128xf32>
    %swap3A = arith.constant 0 : index
    %swap3A_25 = arith.constant 0 : index
    %swap3A_26 = vector.load %arg7[%swap3A, %swap3A_25] : memref<1000x128xf32, #tpu.memory_space<vmem>>, vector<1000x128xf32>
    tpu.vector_store %arg7[%swap3A, %swap3A_25], %mul3A_24 {strides = array<i32>} : memref<1000x128xf32, #tpu.memory_space<vmem>>, vector<1000x128xf32>,
    return
  }
  func.func @transform_0(%arg0: i32) -> (i32, i32) {
    %c0_i32 = arith.constant 0 : i32
    %c0_i32_0 = arith.constant 0 : i32
    return %arg0, %c0_i32 : i32, i32
  }
  func.func @transform_1(%arg0: i32) -> (i32, i32) {
    %c0_i32 = arith.constant 0 : i32
    %c0_i32_0 = arith.constant 0 : i32
    return %arg0, %c0_i32 : i32, i32
  }
  func.func @transform_2(%arg0: i32) -> (i32, i32) {
    %c0_i32 = arith.constant 0 : i32
    %c0_i32_0 = arith.constant 0 : i32
    return %arg0, %c0_i32 : i32, i32
  }
  func.func @transform_3(%arg0: i32) -> (i32, i32) {
    %c0_i32 = arith.constant 0 : i32
    %c0_i32_0 = arith.constant 0 : i32
    return %arg0, %c0_i32 : i32, i32
  }
  func.func @transform_4(%arg0: i32) -> (i32, i32) {
    %c0_i32 = arith.constant 0 : i32
    %c0_i32_0 = arith.constant 0 : i32
    %c0_i32_1 = arith.constant 0 : i32
    return %c0_i32, %c0_i32_0 : i32, i32
  }
  func.func @transform_5(%arg0: i32) -> (i32, i32) {
    %c0_i32 = arith.constant 0 : i32
    %c0_i32_0 = arith.constant 0 : i32
    %c0_i32_1 = arith.constant 0 : i32
    return %c0_i32, %c0_i32_0 : i32, i32
  }
  func.func @transform_6(%arg0: i32) -> (i32, i32) {
    %c0_i32 = arith.constant 0 : i32
    %c0_i32_0 = arith.constant 0 : i32
    return %arg0, %c0_i32 : i32, i32
  }
}

module attributes {stable_mosaic.version = 14 : i64} {
  func.func @_t3_body(%arg0: i32, %arg1: memref<1000x128xf32, #tpu.memory_space<vmem>>, %arg2: memref<1000x128xf32, #tpu.memory_space<vmem>>, %arg3: memref<1000x128xf32, #tpu.memory_space<vmem>>, %arg4: memref<1000x1xf32, #tpu.memory_space<vmem>>, %arg5: memref<1x128xf32, #tpu.memory_space<vmem>>, %arg6: memref<1000x1xi32, #tpu.memory_space<vmem>>, %arg7: memref<128x1xf32, #tpu.memory_space<vmem>>, %arg8: memref<1x1xf32, #tpu.memory_space<vmem>>, %arg9: memref<64x1xf32, #tpu.memory_space<vmem>>, %arg10: memref<64x128xf32, #tpu.memory_space<vmem>>, %arg11: memref<64x8xf32, #tpu.memory_space<vmem>>) attributes {dimension_semantics = [#tpu.dimension_semantics<arbitrary>], iteration_bounds = array<i64: 10>, scalar_prefetch = 0 : i64, scratch_operands = 2 : i64, tpu.core_type = #tpu.core_type<tc>, window_params = [{transform_indices = @transform_0, window_bounds = array<i64: 1000, 128>}, {transform_indices = @transform_1, window_bounds = array<i64: 1000, 128>}, {transform_indices = @transform_2, window_bounds = array<i64: 1000, 128>}, {transform_indices = @transform_3, window_bounds = array<i64: 1000, 1>}, {pipeline_mode = #tpu.pipeline_mode<synchronous>, transform_indices = @transform_4, window_bounds = array<i64: 1, 128>}, {transform_indices = @transform_5, window_bounds = array<i64: 1000, 1>}, {pipeline_mode = #tpu.pipeline_mode<synchronous>, transform_indices = @transform_6, window_bounds = array<i64: 128, 1>}, {pipeline_mode = #tpu.pipeline_mode<synchronous>, transform_indices = @transform_7, window_bounds = array<i64: 1, 1>}, {pipeline_mode = #tpu.pipeline_mode<synchronous>, transform_indices = @transform_8, window_bounds = array<i64: 64, 1>}]} {
    %eq3A = arith.constant 0 : i32
    %eq3A_0 = arith.cmpi eq, %arg0, %eq3A : i32
    %convert_element_type3A = arith.extui %eq3A_0 : i1 to i32
    %cond3A = arith.constant 0 : i32
    %cond3A_1 = arith.cmpi ne, %convert_element_type3A, %cond3A : i32
    scf.if %cond3A_1 {
      %broadcast_in_dim3A_50 = arith.constant 0.000000e+00 : f32
      %broadcast_in_dim3A_51 = vector.broadcast %broadcast_in_dim3A_50 : f32 to vector<64x128xf32>
      %swap3A_52 = arith.constant 0 : index
      %swap3A_53 = arith.constant 0 : index
      %swap3A_54 = vector.load %arg10[%swap3A_52, %swap3A_53] : memref<64x128xf32, #tpu.memory_space<vmem>>, vector<64x128xf32>
      tpu.vector_store %arg10[%swap3A_52, %swap3A_53], %broadcast_in_dim3A_51 {strides = array<i32>} : memref<64x128xf32, #tpu.memory_space<vmem>>, vector<64x128xf32>,
      %broadcast_in_dim3A_55 = arith.constant 0.000000e+00 : f32
      %broadcast_in_dim3A_56 = vector.broadcast %broadcast_in_dim3A_55 : f32 to vector<64x8xf32>
      %swap3A_57 = arith.constant 0 : index
      %swap3A_58 = arith.constant 0 : index
      %swap3A_59 = vector.load %arg11[%swap3A_57, %swap3A_58] : memref<64x8xf32, #tpu.memory_space<vmem>>, vector<64x8xf32>
      tpu.vector_store %arg11[%swap3A_57, %swap3A_58], %broadcast_in_dim3A_56 {strides = array<i32>} : memref<64x8xf32, #tpu.memory_space<vmem>>, vector<64x8xf32>,
    } else {
    }
    %get3A = arith.constant 0 : index
    %get3A_2 = arith.constant 0 : index
    %get3A_3 = vector.load %arg4[%get3A, %get3A_2] : memref<1000x1xf32, #tpu.memory_space<vmem>>, vector<1000x1xf32>
    %get3A_4 = arith.constant 0 : index
    %get3A_5 = arith.constant 0 : index
    %get3A_6 = vector.load %arg1[%get3A_4, %get3A_5] : memref<1000x128xf32, #tpu.memory_space<vmem>>, vector<1000x128xf32>
    %get3A_7 = arith.constant 0 : index
    %get3A_8 = arith.constant 0 : index
    %get3A_9 = vector.load %arg2[%get3A_7, %get3A_8] : memref<1000x128xf32, #tpu.memory_space<vmem>>, vector<1000x128xf32>
    %add3A = arith.addf %get3A_6, %get3A_9 : vector<1000x128xf32>
    %get3A_10 = arith.constant 0 : index
    %get3A_11 = arith.constant 0 : index
    %get3A_12 = vector.load %arg3[%get3A_10, %get3A_11] : memref<1000x128xf32, #tpu.memory_space<vmem>>, vector<1000x128xf32>
    %sub3A = arith.subf %add3A, %get3A_12 : vector<1000x128xf32>
    %mul3A = vector.broadcast %get3A_3 : vector<1000x1xf32> to vector<1000x128xf32>
    %mul3A_13 = arith.mulf %mul3A, %sub3A : vector<1000x128xf32>
    %get3A_14 = arith.constant 0 : index
    %get3A_15 = arith.constant 0 : index
    %get3A_16 = vector.load %arg5[%get3A_14, %get3A_15] : memref<1x128xf32, #tpu.memory_space<vmem>>, vector<1x128xf32>
    %add3A_17 = vector.broadcast %get3A_16 : vector<1x128xf32> to vector<1000x128xf32>
    %add3A_18 = arith.addf %mul3A_13, %add3A_17 : vector<1000x128xf32>
    %max3A = arith.constant 0.000000e+00 : f32
    %max3A_19 = vector.broadcast %max3A : f32 to vector<1000x128xf32>
    %max3A_20 = arith.maximumf %add3A_18, %max3A_19 : vector<1000x128xf32>
    %iota3A = tpu.iota {dimensions = array<i32: 1>} : vector<1000x64xi32>
    %get3A_21 = arith.constant 0 : index
    %get3A_22 = arith.constant 0 : index
    %get3A_23 = vector.load %arg6[%get3A_21, %get3A_22] : memref<1000x1xi32, #tpu.memory_space<vmem>>, vector<1000x1xi32>
    %eq3A_24 = vector.broadcast %get3A_23 : vector<1000x1xi32> to vector<1000x64xi32>
    %eq3A_25 = arith.cmpi eq, %eq3A_24, %iota3A : vector<1000x64xi32>
    %convert_element_type3A_26 = arith.extui %eq3A_25 : vector<1000x64xi1> to vector<1000x64xi32>
    %convert_element_type3A_27 = arith.sitofp %convert_element_type3A_26 : vector<1000x64xi32> to vector<1000x64xf32>
    %get3A_28 = arith.constant 0 : index
    %get3A_29 = arith.constant 0 : index
    %get3A_30 = vector.load %arg10[%get3A_28, %get3A_29] : memref<64x128xf32, #tpu.memory_space<vmem>>, vector<64x128xf32>
    %dot_general3A = arith.constant dense<0.000000e+00> : vector<64x128xf32>
    %dot_general3A_31 = tpu.matmul %convert_element_type3A_27, %max3A_20, %dot_general3A {dimension_numbers = #tpu.dot_dimension_numbers<[0], [0], [1], [1], [0, 1, 1, 1], [], []>, transpose_lhs_hint = false} : vector<1000x64xf32>, vector<1000x128xf32>, vector<64x128xf32> -> vector<64x128xf32>
    %add3A_32 = arith.addf %get3A_30, %dot_general3A_31 : vector<64x128xf32>
    %swap3A = arith.constant 0 : index
    %swap3A_33 = arith.constant 0 : index
    %swap3A_34 = vector.load %arg10[%swap3A, %swap3A_33] : memref<64x128xf32, #tpu.memory_space<vmem>>, vector<64x128xf32>
    tpu.vector_store %arg10[%swap3A, %swap3A_33], %add3A_32 {strides = array<i32>} : memref<64x128xf32, #tpu.memory_space<vmem>>, vector<64x128xf32>,
    %get3A_35 = arith.constant 0 : index
    %get3A_36 = arith.constant 0 : index
    %get3A_37 = vector.load %arg11[%get3A_35, %get3A_36] : memref<64x8xf32, #tpu.memory_space<vmem>>, vector<64x8xf32>
    %broadcast_in_dim3A = arith.constant 1.000000e+00 : f32
    %broadcast_in_dim3A_38 = vector.broadcast %broadcast_in_dim3A : f32 to vector<1000x8xf32>
    %dot_general3A_39 = arith.constant dense<0.000000e+00> : vector<64x8xf32>
    %dot_general3A_40 = tpu.matmul %convert_element_type3A_27, %broadcast_in_dim3A_38, %dot_general3A_39 {dimension_numbers = #tpu.dot_dimension_numbers<[0], [0], [1], [1], [0, 1, 1, 1], [], []>, transpose_lhs_hint = false} : vector<1000x64xf32>, vector<1000x8xf32>, vector<64x8xf32> -> vector<64x8xf32>
    %add3A_41 = arith.addf %get3A_37, %dot_general3A_40 : vector<64x8xf32>
    %swap3A_42 = arith.constant 0 : index
    %swap3A_43 = arith.constant 0 : index
    %swap3A_44 = vector.load %arg11[%swap3A_42, %swap3A_43] : memref<64x8xf32, #tpu.memory_space<vmem>>, vector<64x8xf32>
    tpu.vector_store %arg11[%swap3A_42, %swap3A_43], %add3A_41 {strides = array<i32>} : memref<64x8xf32, #tpu.memory_space<vmem>>, vector<64x8xf32>,
    %eq3A_45 = arith.constant 9 : i32
    %eq3A_46 = arith.cmpi eq, %arg0, %eq3A_45 : i32
    %convert_element_type3A_47 = arith.extui %eq3A_46 : i1 to i32
    %cond3A_48 = arith.constant 0 : i32
    %cond3A_49 = arith.cmpi ne, %convert_element_type3A_47, %cond3A_48 : i32
    scf.if %cond3A_49 {
      %get3A_50 = arith.constant 0 : index
      %get3A_51 = arith.constant 0 : index
      %get3A_52 = vector.load %arg11[%get3A_50, %get3A_51] : memref<64x8xf32, #tpu.memory_space<vmem>>, vector<64x8xf32>
      %slice3A = vector.extract_strided_slice %get3A_52 {offsets = [0, 0], sizes = [64, 1], strides = [1, 1]} : vector<64x8xf32> to vector<64x1xf32>
      %max3A_53 = arith.constant 1.000000e+00 : f32
      %max3A_54 = vector.broadcast %max3A_53 : f32 to vector<64x1xf32>
      %max3A_55 = arith.maximumf %slice3A, %max3A_54 : vector<64x1xf32>
      %get3A_56 = arith.constant 0 : index
      %get3A_57 = arith.constant 0 : index
      %get3A_58 = vector.load %arg10[%get3A_56, %get3A_57] : memref<64x128xf32, #tpu.memory_space<vmem>>, vector<64x128xf32>
      %div3A = vector.broadcast %max3A_55 : vector<64x1xf32> to vector<64x128xf32>
      %div3A_59 = arith.divf %get3A_58, %div3A : vector<64x128xf32>
      %get3A_60 = arith.constant 0 : index
      %get3A_61 = arith.constant 0 : index
      %get3A_62 = vector.load %arg7[%get3A_60, %get3A_61] : memref<128x1xf32, #tpu.memory_space<vmem>>, vector<128x1xf32>
      %dot_general3A_63 = arith.constant dense<0.000000e+00> : vector<64x1xf32>
      %dot_general3A_64 = tpu.matmul %div3A_59, %get3A_62, %dot_general3A_63 {dimension_numbers = #tpu.dot_dimension_numbers<[1], [0], [0], [1], [0, 0, 1, 1], [], []>, transpose_lhs_hint = false} : vector<64x128xf32>, vector<128x1xf32>, vector<64x1xf32> -> vector<64x1xf32>
      %get3A_65 = arith.constant 0 : index
      %get3A_66 = arith.constant 0 : index
      %get3A_67 = vector.load %arg8[%get3A_65, %get3A_66] : memref<1x1xf32, #tpu.memory_space<vmem>>, vector<1x1xf32>
      %add3A_68 = vector.broadcast %get3A_67 : vector<1x1xf32> to vector<64x1xf32>
      %add3A_69 = arith.addf %dot_general3A_64, %add3A_68 : vector<64x1xf32>
      %swap3A_70 = arith.constant 0 : index
      %swap3A_71 = arith.constant 0 : index
      %swap3A_72 = vector.load %arg9[%swap3A_70, %swap3A_71] : memref<64x1xf32, #tpu.memory_space<vmem>>, vector<64x1xf32>
      tpu.vector_store %arg9[%swap3A_70, %swap3A_71], %add3A_69 {strides = array<i32>} : memref<64x1xf32, #tpu.memory_space<vmem>>, vector<64x1xf32>,
    } else {
    }
    return
  }
  func.func @transform_0(%arg0: i32) -> (i32, i32) {
    %c0_i32 = arith.constant 0 : i32
    %c0_i32_0 = arith.constant 0 : i32
    return %arg0, %c0_i32 : i32, i32
  }
  func.func @transform_1(%arg0: i32) -> (i32, i32) {
    %c0_i32 = arith.constant 0 : i32
    %c0_i32_0 = arith.constant 0 : i32
    return %arg0, %c0_i32 : i32, i32
  }
  func.func @transform_2(%arg0: i32) -> (i32, i32) {
    %c0_i32 = arith.constant 0 : i32
    %c0_i32_0 = arith.constant 0 : i32
    return %arg0, %c0_i32 : i32, i32
  }
  func.func @transform_3(%arg0: i32) -> (i32, i32) {
    %c0_i32 = arith.constant 0 : i32
    %c0_i32_0 = arith.constant 0 : i32
    return %arg0, %c0_i32 : i32, i32
  }
  func.func @transform_4(%arg0: i32) -> (i32, i32) {
    %c0_i32 = arith.constant 0 : i32
    %c0_i32_0 = arith.constant 0 : i32
    %c0_i32_1 = arith.constant 0 : i32
    return %c0_i32, %c0_i32_0 : i32, i32
  }
  func.func @transform_5(%arg0: i32) -> (i32, i32) {
    %c0_i32 = arith.constant 0 : i32
    %c0_i32_0 = arith.constant 0 : i32
    return %arg0, %c0_i32 : i32, i32
  }
  func.func @transform_6(%arg0: i32) -> (i32, i32) {
    %c0_i32 = arith.constant 0 : i32
    %c0_i32_0 = arith.constant 0 : i32
    %c0_i32_1 = arith.constant 0 : i32
    return %c0_i32, %c0_i32_0 : i32, i32
  }
  func.func @transform_7(%arg0: i32) -> (i32, i32) {
    %c0_i32 = arith.constant 0 : i32
    %c0_i32_0 = arith.constant 0 : i32
    %c0_i32_1 = arith.constant 0 : i32
    return %c0_i32, %c0_i32_0 : i32, i32
  }
  func.func @transform_8(%arg0: i32) -> (i32, i32) {
    %c0_i32 = arith.constant 0 : i32
    %c0_i32_0 = arith.constant 0 : i32
    %c0_i32_1 = arith.constant 0 : i32
    return %c0_i32, %c0_i32_0 : i32, i32
  }
}

</mosaic_0001>

<sc_bundles>
// kernel: kernel.11.cloned.1.call-start
scs
__scs_entry_jumppad:
0x0: {  	(pc) =	sbr.rel $0x88, $3  }
0x1: {  	(tag) =	ssettag $0x0;
	lr =	simm.s32 $0x1  }
0x2: {  	[smem:$0x3F98] =	sst lr;
	_ =	strace $0xD0000000  }
0x3: {  	_ = 	snop  }
0x4: {  	_ = 	snop  }
0x5: {  	_ = 	snop  }
0x6: {  	_ = 	snop  }
0x7: {  	_ = 	snop  }
__scs_overlays_trampoline_lowered:
0x8: {  	[smem:$0x3FA7] =	sst s0  }
0x9: {  	[smem:$0x3FA8] =	sst s1  }
0xa: {  	[smem:$0x3FA9] =	sst s2  }
0xb: {  	[smem:$0x3FAA] =	sst s3  }
0xc: {  	[smem:$0x3FAB] =	sst s4  }
0xd: {  	[smem:$0x3FAC] =	sst s5  }
0xe: {  	[smem:$0x3FAD] =	sst s6  }
0xf: {  	[smem:$0x3FAE] =	sst s7  }
0x10: {  	[smem:$0x3FAF] =	sst s8  }
0x11: {  	[smem:$0x3FB0] =	sst s9;
	s0 =	simm.s32 @!p0 $0x0  }
0x12: {  	s1 =	sld [smem:$0x3F96];
	s0 =	simm.s32 @p0 $0x1  }
0x13: {  	[smem:$0x3FB1] =	sst s0;
	s0 =	simm.s32 @!p1 $0x0  }
0x14: {  	s2 =	sld [smem:$0x3F95];
	s0 =	simm.s32 @p1 $0x1  }
0x15: {  	[smem:$0x3FB2] =	sst s0;
	s0 =	simm.s32 @!p2 $0x0  }
0x16: {  	s3 =	sld [smem:$0x3FDB];
	s0 =	simm.s32 @p2 $0x1  }
0x17: {  	s4 =	simm.s32 $0x1BF5;
	[smem:$0x3FB4] =	sst s0  }
0x18: {  	s0 =	sld [smem:$0x3F97];
	_ =	swait.ge [sflag:s4], $0x0  }
0x19: {  	s7 =	sld [smem:$0x3F98]  }
0x1a: {  	s8 =	sadd.s32 $0xFFFFE003, lr  }
0x1b: {  	s9 =	sadd.s32 $0xFFFFFEF7, lr;
	s5 =	simm.s32 $0xFFFFFFFF;
	p2 =	slt.u32 s8, $0xFFFFF086  }
0x1c: {  	p1 =	slt.u32 s9, $0xF7A;
	s5 =	simm.s32 @!p2 $0x0  }
0x1d: {  	s5 =	simm.s32 @p1 $0x1;
	p0 =	seq.s32 s7, s2  }
0x1e: {  	s7 =	smul.u32 @!p0 $0xF7A, s2;
	p2 =	seq.s32 @!p0 s5, $0x0  }
0x1f: {  	s9 =	smul.u32 $0xF7A, s1;
	s8 =	simm.s32 @!p0 $0x1BF5;
	p2 =	por !p2, p0  }
0x20: {  	[sflag:s8] =	ssyncset.s32 @!p0 $0xFFFFF086;
	s6 =	sadd.s32 @!p0 s3, s7;
	s7 =	simm.s32 @!p0 $0x108  }
0x21: {  	s3 =	sadd.s32 s3, s9;
	s6 =	sadd.s32 @!p0 $0x88, s6;
	s7 =	simm.s32 @p2 $0x1082  }
0x22: {  	[simem:s7], [sflag:s8] =	dma.local @!p0 [hbm:s6], $0xF7A  }
0x23: {  	s9 =	sor.u32 $0xD0000000, s2;
	s6 =	simm.s32 $0x108;
	_ =	swait.ge @!p0 [sflag:s8], $0x0  }
0x24: {  	s3 =	sadd.s32 $0x88, s3;
	s6 =	simm.s32 @!p1 $0x1082;
	[sflag:s4] =	ssyncset.s32 $0xFFFFF086  }
0x25: {  	[simem:s6], [sflag:s4] =	dma.local [hbm:s3], $0xF7A  }
0x26: {  	[smem:$0x3F98] =	sst s1;
	(tag) =	ssettag s2;
	_ =	strace s9  }
0x27: {  	s1 =	sld [smem:$0x3FA8]  }
0x28: {  	s2 =	sld [smem:$0x3FA9]  }
0x29: {  	s4 =	sld [smem:$0x3FAB]  }
0x2a: {  	p0 =	seq.s32 s5, $0x0;
	s5 =	sld [smem:$0x3FAC]  }
0x2b: {  	s6 =	sld [smem:$0x3FAD]  }
0x2c: {  	s7 =	sld [smem:$0x3FAE]  }
0x2d: {  	s3 =	simm.s32 $0x108;
	s8 =	sld [smem:$0x3FAF]  }
0x2e: {  	s3 =	simm.s32 @!p0 $0x1082;
	s9 =	sld [smem:$0x3FB0]  }
0x2f: {  	lr =	sadd.s32 s0, s3;
	s0 =	sld [smem:$0x3FA7]  }
0x30: {  	s3 =	sld [smem:$0x3FAA]  }
0x31: {  	[smem:$0x3FB3] =	sst s10  }
0x32: {  	s10 =	sld [smem:$0x3FB1];
	_ =	sdelay $0x3  }
0x33: {  	p0 =	seq.s32 s10, $0x1;
	s10 =	sld [smem:$0x3FB3];
	_ =	sdelay $0x3  }
0x34: {  	[smem:$0x3FB3] =	sst s10  }
0x35: {  	s10 =	sld [smem:$0x3FB2];
	_ =	sdelay $0x3  }
0x36: {  	p1 =	seq.s32 s10, $0x1;
	s10 =	sld [smem:$0x3FB3];
	_ =	sdelay $0x3  }
0x37: {  	[smem:$0x3FB3] =	sst s10  }
0x38: {  	s10 =	sld [smem:$0x3FB4]  }
0x39: {  	_ = 	snop;
	(pc) =	sbr.ind lr, $3  }
0x3a: {  	_ = 	snop  }
0x3b: {  	_ = 	snop  }
0x3c: {  	p2 =	seq.s32 s10, $0x1;
	s10 =	sld [smem:$0x3FB3]  }
0x3d: {  	_ =	shalt  }
0x3e: {  	_ =	shalt  }
0x3f: {  	_ =	shalt  }
0x40: {  	_ =	shalt  }
0x41: {  	_ =	shalt  }
0x42: {  	_ =	shalt  }
0x43: {  	_ =	shalt  }
0x44: {  	_ =	shalt  }
0x45: {  	_ =	shalt  }
0x46: {  	_ =	shalt  }
0x47: {  	_ =	shalt  }
0x48: {  	_ =	shalt  }
0x49: {  	_ =	shalt  }
0x4a: {  	_ =	shalt  }
0x4b: {  	_ =	shalt  }
0x4c: {  	_ =	shalt  }
0x4d: {  	_ =	shalt  }
0x4e: {  	_ =	shalt  }
0x4f: {  	_ =	shalt  }
0x50: {  	_ =	shalt  }
0x51: {  	_ =	shalt  }
0x52: {  	_ =	shalt  }
0x53: {  	_ =	shalt  }
0x54: {  	_ =	shalt  }
0x55: {  	_ =	shalt  }
0x56: {  	_ =	shalt  }
0x57: {  	_ =	shalt  }
0x58: {  	_ =	shalt  }
0x59: {  	_ =	shalt  }
0x5a: {  	_ =	shalt  }
0x5b: {  	_ =	shalt  }
0x5c: {  	_ =	shalt  }
0x5d: {  	_ =	shalt  }
0x5e: {  	_ =	shalt  }
0x5f: {  	_ =	shalt  }
0x60: {  	_ =	shalt  }
0x61: {  	_ =	shalt  }
0x62: {  	_ =	shalt  }
0x63: {  	_ =	shalt  }
0x64: {  	_ =	shalt  }
0x65: {  	_ =	shalt  }
0x66: {  	_ =	shalt  }
0x67: {  	_ =	shalt  }
0x68: {  	_ =	shalt  }
0x69: {  	_ =	shalt  }
0x6a: {  	_ =	shalt  }
0x6b: {  	_ =	shalt  }
0x6c: {  	_ =	shalt  }
0x6d: {  	_ =	shalt  }
0x6e: {  	_ =	shalt  }
0x6f: {  	_ =	shalt  }
0x70: {  	_ =	shalt  }
0x71: {  	_ =	shalt  }
0x72: {  	_ =	shalt  }
0x73: {  	_ =	shalt  }
0x74: {  	_ =	shalt  }
0x75: {  	_ =	shalt  }
0x76: {  	_ =	shalt  }
0x77: {  	_ =	shalt  }
0x78: {  	_ =	shalt  }
0x79: {  	_ =	shalt  }
0x7a: {  	_ =	shalt  }
0x7b: {  	_ =	shalt  }
0x7c: {  	_ =	shalt  }
0x7d: {  	_ =	shalt  }
0x7e: {  	_ =	shalt  }
0x7f: {  	_ =	shalt  }
0x80: {  	_ =	shalt  }
0x81: {  	_ =	shalt  }
0x82: {  	_ =	shalt  }
0x83: {  	_ =	shalt  }
0x84: {  	_ =	shalt  }
0x85: {  	_ =	shalt  }
0x86: {  	_ =	shalt  }
0x87: {  	_ =	shalt  }
.Lfunc_end0:
.L_simem_size_0:
called_computation.1_lowered:
.L_overlay_start_0:
0x88: {  	s2 =	sld [smem:$0x3FD9]  }
0x89: {  	s3 =	sld [smem:$0x3FFE];
	_ =	sdelay $0x1  }
0x8a: {  	s1 =	srdreg.scid  }
0x8b: {  	s0 =	sand.u32 $0x1, s1  }
0x8c: {  	s16 =	sshll.u32 s0, $0xA;
	s2 =	sadd.s32 s3, s2  }
0x8d: {  	s2 =	sadd.s32 s2, s16  }
0x8e: {  	[smem:$0x3FBF] =	sst s2  }
0x8f: {  	_ = 	snop  }
0x90: {  	(tm) =	ssettm $0x1  }
0x91: {  	s17 =	sld [smem:$0x3FFB];
	_ =	sdelay $0x3  }
0x92: {  	_ =	strace s17  }
0x93: {  	s2 =	sld [smem:$0x3FFC];
	_ =	sdelay $0x3  }
0x94: {  	_ =	strace s2  }
0x95: {  	s2 =	sld [smem:$0x3FFD];
	_ =	sdelay $0x3  }
0x96: {  	_ =	strace s2  }
0x97: {  	_ =	strace $0x8FFFFFFF  }
0x98: {  	s18 =	sld [smem:$0x3FDB];
	_ =	sdelay $0x1  }
0x99: {  	s19 =	simm.s32 $_scs_section_size  }
0x9a: {  	s4 =	simm.s32 $_size__tile_overlayer_lowered;
	s5 =	simm.s32 $_tile_overlayer_lowered  }
0x9b: {  	s22 =	simm.s32 $0x1BFF;
	s21 =	sshll.u32 s5, $0x1;
	s2 =	sadd.s32 s19, s18  }
0x9c: {  	s6 =	simm.s32 $0x0;
	s20 =	sshll.u32 s4, $0x1;
	s4 =	sadd.s32 s21, s2  }
0x9d: {  	[timem:s6], [sflag:s22] =	dma.local [hbm:s4], s20  }
0x9e: {  	_ =	swait.ge [sflag:s22], s20  }
0x9f: {  	s3 =	ssub.s32 $0x0, s20;
	[sflag:s22] =	ssyncset.done $0x0  }
0xa0: {  	[sflag:s22] =	ssyncadd.s32 s3;
	_ =	sdelay $0x1  }
0xa1: {  	s23 =	simm.s32 $0x1B8B  }
0xa2: {  	_ =	swait.ge [sflag:s23], $0x1  }
0xa3: {  	[sflag:s23] =	ssyncset.done $0x0  }
0xa4: {  	s25 =	simm.s32 $0x1B8E;
	s24 =	sld [smem:$0x3FFE];
	[sflag:s23] =	ssyncadd.s32 $0xFFFFFFFF  }
0xa5: {  	s26 =	simm.s32 $execute0_lowered;
	[smem:$0x3FD2] =	sst s25  }
0xa6: {  	s4 =	sshll.u32 s26, $0x1;
	_ =	strace $0x80000049;
	[dreg:$0x1] =	wrdreg $0xFFFFFFFF  }
0xa7: {  	s28 =	simm.s32 $_size_execute0_lowered;
	s2 =	sadd.s32 s2, s4;
	[dreg:$0x0] =	wrdreg $0x0  }
0xa8: {  	s4 =	sshll.u32 s28, $0x1;
	[dreg:$0x2] =	wrdreg s2  }
0xa9: {  	[dreg:$0x3] =	wrdreg s4  }
0xaa: {  	[dreg:$0x4] =	wrdreg $0xC0  }
0xab: {  	_ =	task [dreg:s6], $0x5FFFF  }
0xac: {  	[dreg:$0x1] =	wrdreg $0xFFFFFFFF  }
0xad: {  	[dreg:$0x0] =	wrdreg $0x60  }
0xae: {  	[dreg:$0x2] =	wrdreg s24  }
0xaf: {  	[dreg:$0x3] =	wrdreg $0x90000  }
0xb0: {  	[dreg:$0x4] =	wrdreg $0x9  }
0xb1: {  	_ =	task.clear_ibuf [dreg:s6], $0x5FFFF;
	_ =	strace $0x90000049  }
0xb2: {  	s29 =	simm.s32 $0x9;
	_ =	strace $0x8000004B  }
0xb3: {  	_ =	swait.ge [sflag:s29], $0x1  }
0xb4: {  	[sflag:s29] =	ssyncadd.s32 $0xFFFFFFFF  }
0xb5: {  	_ =	strace $0x9000004B  }
0xb6: {  	_ =	sfence  }
0xb7: {  	s30 =	sld [smem:$0x0];
	_ =	sdelay $0x2  }
0xb8: {  	s31 =	sshll.u32 s1, $0xD;
	s1 =	sshrl.u32 s1, $0x2  }
0xb9: {  	s3 =	sand.u32 $0x4000, s31;
	s1 =	sadd.s32 s1, s30  }
0xba: {  	s0 =	sor.u32 s3, s0;
	s1 =	sshll.u32 s1, $0x11  }
0xbb: {  	s0 =	sor.u32 s1, s0  }
0xbc: {  	s0 =	sadd.s32 $0x8F2B, s0  }
0xbd: {  	[sflag:s0] =	ssyncadd.remote.s32 $0x1  }
0xbe: {  	_ =	sfence.sel $0xFFFF  }
0xbf: {  	[dreg:$0x0] =	wrdreg $0xFFFFFFFF;
	(pc) =	sbr.abs _section_cstart, $3  }
0xc0: {  	[dreg:$0x1] =	wrdreg $0xFFFFFFFF  }
0xc1: {  	_ =	task.clear_ibuf [dreg:s6], $0x2FFFF;
	_ =	strace $0x9FFFFFFF  }
0xc2: {  	(tm) =	ssettm $0x7FFFFFFF  }
0xc3: {  	_ =	shalt  }
tec
execute0_lowered:
.L_overlay_start_1:
0x0: {  	(tag) =	ssettag $0x1  }
0x1: {  	s5 =	rddreg [dreg:$0x0]  }
0x2: {  	s2 =	rddreg [dreg:$0x1]  }
0x3: {  	s0 =	rddreg [dreg:$0x2];
	s4 =	srdreg.scid  }
0x4: {  	s1 =	stileid.u32;
	s3 =	simm.s32 $0x0;
	s14 =	simm.s32 $0x80  }
0x5: {  	s15 =	simm.s32 $0x5000;
	s16 =	simm.s32 $0x1;
	s17 =	simm.s32 $0x0  }
0x6: {  	s6 =	sand.u32 $0x1, s4;
	s7 =	smul.u32 $0x13C00, s1;
	[smem:$0x7FF] =	sst s3  }
0x7: {  	s26 =	sshll.u32 s1, $0x1;
	s4 =	sadd.s32 $0x3E600, s5;
	s10 =	smul.u32 $0x4F000, s1  }
0x8: {  	s31 =	sshll.u32 s1, $0x6;
	s8 =	smul.u32 $0x13C000, s6;
	s9 =	sor.u32 s6, s26  }
0x9: {  	_ =	strace $0x8000004A;
	s6 =	ssub.s32 $0x2, s6;
	s9 =	smul.u32 $0x500, s9  }
0xa: {  	s28 =	sshrl.u32 s6, $0x1;
	s29 =	sshrl.u32 s10, $0x2;
	s30 =	sshrl.u32 s7, $0x3  }
0xb: {  	s8 =	sadd.s32 s7, s8;
	s12 =	ssub.s32 s6, s28;
	s13 =	sadd.s32 s29, s2  }
0xc: {  	s6 =	sor.u32 $0x1C02, s31;
	s8 =	sshrl.u32 s8, $0x3;
	s9 =	sadd.s32 s9, s5  }
0xd: {  	s10 =	smax.u32 s12, $0x1;
	s12 =	simm.s32 $0x2;
	s11 =	sadd.s32 s8, s5  }
0xe: {  	s5 =	sadd.s32 s4, s30;
	s7 =	sadd.s32 $0xD400, s9;
	s8 =	sadd.s32 $0x2A00, s9  }
0xf: {  	s9 =	sadd.s32 $0x65E00, s11;
	s11 =	sshrl.u32 s13, $0x3;
	s13 =	simm.s32 $0x2800  }
.LBB2_1:
0x10: {  	[spmem:s11], [sflag:s6] =	dma.local [hbm:s5], $0x2780  }
0x11: {  	_ =	swait.ge [sflag:s12], $0x2780  }
0x12: {  	[sflag:s12] =	ssyncset.done $0x0  }
0x13: {  	[sflag:s12] =	ssyncadd.s32 $0xFFFFD880  }
0x14: {  	[bflag:$0x0] =	sbarrier.arrive $0xFFFF  }
0x15: {  	[tilespmem:s3], [sflag:$0x2] =	stream.linear.gather [hbm4b:s7+s3], $0x2780, $0x38;
	[tilespmem:$0x1CC00] =	vst v63  }
0x16: {  	_ =	swait.ge [sflag:s12], $0x2780  }
0x17: {  	[sflag:s12] =	ssyncset.done $0x0  }
0x18: {  	[sflag:s12] =	ssyncadd.s32 $0xFFFFD880  }
0x19: {  	[tilespmem:s13], [sflag:$0x2] =	stream.linear.gather [hbm4b:s8+s3], $0x2780, $0x38;
	[tilespmem:$0x1CC00] =	vst v63  }
0x1a: {  	_ =	swait.ge [sflag:s12], $0x2780  }
0x1b: {  	[sflag:s12] =	ssyncset.done $0x0  }
0x1c: {  	s18 =	simm.s32 $0x0;
	[sflag:s12] =	ssyncadd.s32 $0xFFFFD880  }
0x1d: {  	[tilespmem:s15], [sflag:$0x1] =	stream.indirect.gather [hbm4b:s4+s14], $0x80, s18, s14, $0xb8;
	[tilespmem:$0x1CC00] =	vst v63  }
0x1e: {  	_ =	swait.ge [sflag:s16], $0x4000  }
0x1f: {  	[sflag:s16] =	ssyncset.done $0x0  }
0x20: {  	s31 =	simm.s32 $0x2800;
	[sflag:s16] =	ssyncadd.s32 $0xFFFFC000  }
0x21: {  	[spmem:s2] =	stream.indirect.scatter.add.f32 [tilespmem:s15], [sflag:$0x2], $0x80, s31, s14, $0xb8;
	[tilespmem:$0x1CC00] =	vst v63  }
0x22: {  	_ =	swait.ge [sflag:s12], $0x4000  }
0x23: {  	s19 =	simm.s32 $0x400;
	s18 =	simm.s32 $0x200;
	[sflag:s12] =	ssyncset.done $0x0  }
.LBB2_2:
0x24: {  	s20 =	sshra.s32 s18, $0x2  }
0x25: {  	[sflag:s12] =	ssyncadd.s32 $0xFFFFC000;
	s18 =	smov.u32 s19;
	s21 =	sadd.s32 $0x200, s19  }
0x26: {  	[tilespmem:s15], [sflag:$0x1] =	stream.indirect.gather [hbm4b:s4+s14], $0x80, s20, s14, $0xb8;
	[tilespmem:$0x1CC00] =	vst v63  }
0x27: {  	p0 =	sne.s32 s19, $0x9C00;
	_ =	swait.ge [sflag:s16], $0x4000  }
.Ltmp0:
0x28: {  	[sflag:s16] =	ssyncset.done $0x0;
	(pc) =	sbr.rel @p0 .LBB2_2-.Ltmp0, $4  }
0x29: {  	s19 =	sadd.s32 $0x2800, s20;
	[sflag:s16] =	ssyncadd.s32 $0xFFFFC000  }
0x2a: {  	[spmem:s2] =	stream.indirect.scatter.add.f32 [tilespmem:s15], [sflag:$0x2], $0x80, s19, s14, $0xb8;
	[tilespmem:$0x1CC00] =	vst v63  }
0x2b: {  	_ =	swait.ge [sflag:s12], $0x4000  }
0x2c: {  	s19 =	smov.u32 s21;
	[sflag:s12] =	ssyncset.done $0x0  }
0x2d: {  	s18 =	sshra.s32 s18, $0x2;
	[sflag:s12] =	ssyncadd.s32 $0xFFFFC000  }
0x2e: {  	[tilespmem:s15], [sflag:$0x1] =	stream.indirect.gather [hbm4b:s4+s14], $0x80, s18, s14, $0xb8;
	[tilespmem:$0x1CC00] =	vst v63  }
0x2f: {  	_ =	swait.ge [sflag:s16], $0x4000  }
0x30: {  	[sflag:s16] =	ssyncset.done $0x0  }
0x31: {  	s18 =	sadd.s32 $0x2800, s18;
	[sflag:s16] =	ssyncadd.s32 $0xFFFFC000  }
0x32: {  	[spmem:s2] =	stream.indirect.scatter.add.f32 [tilespmem:s15], [sflag:$0x2], $0x80, s18, s14, $0xb8;
	[tilespmem:$0x1CC00] =	vst v63  }
0x33: {  	_ =	swait.ge [sflag:s12], $0x4000  }
0x34: {  	s17 =	sadd.s32 $0x1, s17;
	[sflag:s12] =	ssyncset.done $0x0  }
0x35: {  	p0 =	sne.s32 s17, s10;
	[sflag:s12] =	ssyncadd.s32 $0xFFFFC000  }
.Ltmp1:
0x36: {  	[bflag:$0x0] =	sbarrier.arrive $0xFFFF;
	(pc) =	sbr.rel @p0 .LBB2_1-.Ltmp1, $4  }
0x37: {  	[hbm:s9], [sflag:s6] =	dma.local [spmem:s11], $0x2780  }
0x38: {  	_ =	swait.ge [sflag:s12], $0x2780  }
0x39: {  	[sflag:s12] =	ssyncset.done $0x0  }
0x3a: {  	[sflag:s12] =	ssyncadd.s32 $0xFFFFD880  }
0x3b: {  	_ =	sfence.sel $0x180000  }
0x3c: {  	[bflag:$0x0] =	sbarrier.arrive $0xFFFF  }
0x3d: {  	p0 =	sne.s32 s1, $0x0;
	_ =	strace $0x9000004A  }
0x3e: {  	s0 =	sadd.s32 @!p0 $0x100000, s0;
	[bflag:$0x2] =	sbarrier.arrive $0xFFFF  }
0x3f: {  	[sflag:s0] =	ssyncadd.tile.s32 @!p0 $0x1;
	_ =	shalt  }
.Lfunc_end2:
_tile_overlayer_lowered:
.L_overlay_start_2:
0x40: {  	(tag) =	ssettag $0x2  }
0x41: {  	s0 =	rddreg [dreg:$0x0];
	s2 =	stileid.u32  }
0x42: {  	s1 =	rddreg [dreg:$0x1];
	p0 =	sne.s32 s2, $0x0  }
0x43: {  	s3 =	rddreg [dreg:$0x2];
	[bflag:$0x3] =	sbarrier.arrive $0xFFFF;
	s2 =	simm.s32 @!p0 $0x1C02  }
0x44: {  	[timem:s3], [sflag:s2] =	dma.local @!p0 [hbm:s0], s1  }
0x45: {  	s0 =	simm.s32 @!p0 $0x2  }
0x46: {  	_ =	swait.ge @!p0 [sflag:s0], s1  }
0x47: {  	s1 =	ssub.s32 @!p0 $0x0, s1;
	[sflag:s0] =	ssyncset.done @!p0 $0x0  }
0x48: {  	[sflag:s0] =	ssyncadd.s32 @!p0 s1  }
0x49: {  	[bflag:$0x3] =	sbarrier.arrive $0xFFFF  }
0x4a: {  	_ =	shalt  }

// kernel: kernel.14.cloned.1.call-start
scs
__scs_entry_jumppad:
0x0: {  	(pc) =	sbr.rel $0x88, $3  }
0x1: {  	(tag) =	ssettag $0x0;
	lr =	simm.s32 $0x1  }
0x2: {  	[smem:$0x3F98] =	sst lr;
	_ =	strace $0xD0000000  }
0x3: {  	_ = 	snop  }
0x4: {  	_ = 	snop  }
0x5: {  	_ = 	snop  }
0x6: {  	_ = 	snop  }
0x7: {  	_ = 	snop  }
__scs_overlays_trampoline_lowered:
0x8: {  	[smem:$0x3FA7] =	sst s0  }
0x9: {  	[smem:$0x3FA8] =	sst s1  }
0xa: {  	[smem:$0x3FA9] =	sst s2  }
0xb: {  	[smem:$0x3FAA] =	sst s3  }
0xc: {  	[smem:$0x3FAB] =	sst s4  }
0xd: {  	[smem:$0x3FAC] =	sst s5  }
0xe: {  	[smem:$0x3FAD] =	sst s6  }
0xf: {  	[smem:$0x3FAE] =	sst s7  }
0x10: {  	[smem:$0x3FAF] =	sst s8  }
0x11: {  	[smem:$0x3FB0] =	sst s9;
	s0 =	simm.s32 @!p0 $0x0  }
0x12: {  	s1 =	sld [smem:$0x3F96];
	s0 =	simm.s32 @p0 $0x1  }
0x13: {  	[smem:$0x3FB1] =	sst s0;
	s0 =	simm.s32 @!p1 $0x0  }
0x14: {  	s2 =	sld [smem:$0x3F95];
	s0 =	simm.s32 @p1 $0x1  }
0x15: {  	[smem:$0x3FB2] =	sst s0;
	s0 =	simm.s32 @!p2 $0x0  }
0x16: {  	s3 =	sld [smem:$0x3FDB];
	s0 =	simm.s32 @p2 $0x1  }
0x17: {  	s4 =	simm.s32 $0x1BF5;
	[smem:$0x3FB4] =	sst s0  }
0x18: {  	s0 =	sld [smem:$0x3F97];
	_ =	swait.ge [sflag:s4], $0x0  }
0x19: {  	s7 =	sld [smem:$0x3F98]  }
0x1a: {  	s8 =	sadd.s32 $0xFFFFE003, lr  }
0x1b: {  	s9 =	sadd.s32 $0xFFFFFEF7, lr;
	s5 =	simm.s32 $0xFFFFFFFF;
	p2 =	slt.u32 s8, $0xFFFFF086  }
0x1c: {  	p1 =	slt.u32 s9, $0xF7A;
	s5 =	simm.s32 @!p2 $0x0  }
0x1d: {  	s5 =	simm.s32 @p1 $0x1;
	p0 =	seq.s32 s7, s2  }
0x1e: {  	s7 =	smul.u32 @!p0 $0xF7A, s2;
	p2 =	seq.s32 @!p0 s5, $0x0  }
0x1f: {  	s9 =	smul.u32 $0xF7A, s1;
	s8 =	simm.s32 @!p0 $0x1BF5;
	p2 =	por !p2, p0  }
0x20: {  	[sflag:s8] =	ssyncset.s32 @!p0 $0xFFFFF086;
	s6 =	sadd.s32 @!p0 s3, s7;
	s7 =	simm.s32 @!p0 $0x108  }
0x21: {  	s3 =	sadd.s32 s3, s9;
	s6 =	sadd.s32 @!p0 $0x88, s6;
	s7 =	simm.s32 @p2 $0x1082  }
0x22: {  	[simem:s7], [sflag:s8] =	dma.local @!p0 [hbm:s6], $0xF7A  }
0x23: {  	s9 =	sor.u32 $0xD0000000, s2;
	s6 =	simm.s32 $0x108;
	_ =	swait.ge @!p0 [sflag:s8], $0x0  }
0x24: {  	s3 =	sadd.s32 $0x88, s3;
	s6 =	simm.s32 @!p1 $0x1082;
	[sflag:s4] =	ssyncset.s32 $0xFFFFF086  }
0x25: {  	[simem:s6], [sflag:s4] =	dma.local [hbm:s3], $0xF7A  }
0x26: {  	[smem:$0x3F98] =	sst s1;
	(tag) =	ssettag s2;
	_ =	strace s9  }
0x27: {  	s1 =	sld [smem:$0x3FA8]  }
0x28: {  	s2 =	sld [smem:$0x3FA9]  }
0x29: {  	s4 =	sld [smem:$0x3FAB]  }
0x2a: {  	p0 =	seq.s32 s5, $0x0;
	s5 =	sld [smem:$0x3FAC]  }
0x2b: {  	s6 =	sld [smem:$0x3FAD]  }
0x2c: {  	s7 =	sld [smem:$0x3FAE]  }
0x2d: {  	s3 =	simm.s32 $0x108;
	s8 =	sld [smem:$0x3FAF]  }
0x2e: {  	s3 =	simm.s32 @!p0 $0x1082;
	s9 =	sld [smem:$0x3FB0]  }
0x2f: {  	lr =	sadd.s32 s0, s3;
	s0 =	sld [smem:$0x3FA7]  }
0x30: {  	s3 =	sld [smem:$0x3FAA]  }
0x31: {  	[smem:$0x3FB3] =	sst s10  }
0x32: {  	s10 =	sld [smem:$0x3FB1];
	_ =	sdelay $0x3  }
0x33: {  	p0 =	seq.s32 s10, $0x1;
	s10 =	sld [smem:$0x3FB3];
	_ =	sdelay $0x3  }
0x34: {  	[smem:$0x3FB3] =	sst s10  }
0x35: {  	s10 =	sld [smem:$0x3FB2];
	_ =	sdelay $0x3  }
0x36: {  	p1 =	seq.s32 s10, $0x1;
	s10 =	sld [smem:$0x3FB3];
	_ =	sdelay $0x3  }
0x37: {  	[smem:$0x3FB3] =	sst s10  }
0x38: {  	s10 =	sld [smem:$0x3FB4]  }
0x39: {  	_ = 	snop;
	(pc) =	sbr.ind lr, $3  }
0x3a: {  	_ = 	snop  }
0x3b: {  	_ = 	snop  }
0x3c: {  	p2 =	seq.s32 s10, $0x1;
	s10 =	sld [smem:$0x3FB3]  }
0x3d: {  	_ =	shalt  }
0x3e: {  	_ =	shalt  }
0x3f: {  	_ =	shalt  }
0x40: {  	_ =	shalt  }
0x41: {  	_ =	shalt  }
0x42: {  	_ =	shalt  }
0x43: {  	_ =	shalt  }
0x44: {  	_ =	shalt  }
0x45: {  	_ =	shalt  }
0x46: {  	_ =	shalt  }
0x47: {  	_ =	shalt  }
0x48: {  	_ =	shalt  }
0x49: {  	_ =	shalt  }
0x4a: {  	_ =	shalt  }
0x4b: {  	_ =	shalt  }
0x4c: {  	_ =	shalt  }
0x4d: {  	_ =	shalt  }
0x4e: {  	_ =	shalt  }
0x4f: {  	_ =	shalt  }
0x50: {  	_ =	shalt  }
0x51: {  	_ =	shalt  }
0x52: {  	_ =	shalt  }
0x53: {  	_ =	shalt  }
0x54: {  	_ =	shalt  }
0x55: {  	_ =	shalt  }
0x56: {  	_ =	shalt  }
0x57: {  	_ =	shalt  }
0x58: {  	_ =	shalt  }
0x59: {  	_ =	shalt  }
0x5a: {  	_ =	shalt  }
0x5b: {  	_ =	shalt  }
0x5c: {  	_ =	shalt  }
0x5d: {  	_ =	shalt  }
0x5e: {  	_ =	shalt  }
0x5f: {  	_ =	shalt  }
0x60: {  	_ =	shalt  }
0x61: {  	_ =	shalt  }
0x62: {  	_ =	shalt  }
0x63: {  	_ =	shalt  }
0x64: {  	_ =	shalt  }
0x65: {  	_ =	shalt  }
0x66: {  	_ =	shalt  }
0x67: {  	_ =	shalt  }
0x68: {  	_ =	shalt  }
0x69: {  	_ =	shalt  }
0x6a: {  	_ =	shalt  }
0x6b: {  	_ =	shalt  }
0x6c: {  	_ =	shalt  }
0x6d: {  	_ =	shalt  }
0x6e: {  	_ =	shalt  }
0x6f: {  	_ =	shalt  }
0x70: {  	_ =	shalt  }
0x71: {  	_ =	shalt  }
0x72: {  	_ =	shalt  }
0x73: {  	_ =	shalt  }
0x74: {  	_ =	shalt  }
0x75: {  	_ =	shalt  }
0x76: {  	_ =	shalt  }
0x77: {  	_ =	shalt  }
0x78: {  	_ =	shalt  }
0x79: {  	_ =	shalt  }
0x7a: {  	_ =	shalt  }
0x7b: {  	_ =	shalt  }
0x7c: {  	_ =	shalt  }
0x7d: {  	_ =	shalt  }
0x7e: {  	_ =	shalt  }
0x7f: {  	_ =	shalt  }
0x80: {  	_ =	shalt  }
0x81: {  	_ =	shalt  }
0x82: {  	_ =	shalt  }
0x83: {  	_ =	shalt  }
0x84: {  	_ =	shalt  }
0x85: {  	_ =	shalt  }
0x86: {  	_ =	shalt  }
0x87: {  	_ =	shalt  }
.Lfunc_end0:
.L_simem_size_0:
called_computation.2_lowered:
.L_overlay_start_0:
0x88: {  	s2 =	sld [smem:$0x3FD9]  }
0x89: {  	s3 =	sld [smem:$0x3FFE];
	_ =	sdelay $0x1  }
0x8a: {  	s1 =	srdreg.scid  }
0x8b: {  	s0 =	sand.u32 $0x1, s1  }
0x8c: {  	s16 =	sshll.u32 s0, $0xA;
	s2 =	sadd.s32 s3, s2  }
0x8d: {  	s2 =	sadd.s32 s2, s16  }
0x8e: {  	[smem:$0x3FBF] =	sst s2  }
0x8f: {  	_ = 	snop  }
0x90: {  	(tm) =	ssettm $0x1  }
0x91: {  	s17 =	sld [smem:$0x3FFB];
	_ =	sdelay $0x3  }
0x92: {  	_ =	strace s17  }
0x93: {  	s2 =	sld [smem:$0x3FFC];
	_ =	sdelay $0x3  }
0x94: {  	_ =	strace s2  }
0x95: {  	s2 =	sld [smem:$0x3FFD];
	_ =	sdelay $0x3  }
0x96: {  	_ =	strace s2  }
0x97: {  	_ =	strace $0x8FFFFFFF  }
0x98: {  	s18 =	sld [smem:$0x3FDB];
	_ =	sdelay $0x1  }
0x99: {  	s19 =	simm.s32 $_scs_section_size  }
0x9a: {  	s4 =	simm.s32 $_size__tile_overlayer_lowered;
	s5 =	simm.s32 $_tile_overlayer_lowered  }
0x9b: {  	s22 =	simm.s32 $0x1BFF;
	s21 =	sshll.u32 s5, $0x1;
	s2 =	sadd.s32 s19, s18  }
0x9c: {  	s6 =	simm.s32 $0x0;
	s20 =	sshll.u32 s4, $0x1;
	s4 =	sadd.s32 s21, s2  }
0x9d: {  	[timem:s6], [sflag:s22] =	dma.local [hbm:s4], s20  }
0x9e: {  	_ =	swait.ge [sflag:s22], s20  }
0x9f: {  	s3 =	ssub.s32 $0x0, s20;
	[sflag:s22] =	ssyncset.done $0x0  }
0xa0: {  	[sflag:s22] =	ssyncadd.s32 s3;
	_ =	sdelay $0x1  }
0xa1: {  	s23 =	simm.s32 $0x1B8B  }
0xa2: {  	_ =	swait.ge [sflag:s23], $0x1  }
0xa3: {  	[sflag:s23] =	ssyncset.done $0x0  }
0xa4: {  	s25 =	simm.s32 $0x1B8E;
	s24 =	sld [smem:$0x3FFE];
	[sflag:s23] =	ssyncadd.s32 $0xFFFFFFFF  }
0xa5: {  	s26 =	simm.s32 $execute0_lowered;
	[smem:$0x3FD2] =	sst s25  }
0xa6: {  	s4 =	sshll.u32 s26, $0x1;
	_ =	strace $0x8000004C;
	[dreg:$0x1] =	wrdreg $0xFFFFFFFF  }
0xa7: {  	s28 =	simm.s32 $_size_execute0_lowered;
	s2 =	sadd.s32 s2, s4;
	[dreg:$0x0] =	wrdreg $0x0  }
0xa8: {  	s4 =	sshll.u32 s28, $0x1;
	[dreg:$0x2] =	wrdreg s2  }
0xa9: {  	[dreg:$0x3] =	wrdreg s4  }
0xaa: {  	[dreg:$0x4] =	wrdreg $0xC0  }
0xab: {  	_ =	task [dreg:s6], $0x5FFFF  }
0xac: {  	[dreg:$0x1] =	wrdreg $0xFFFFFFFF  }
0xad: {  	[dreg:$0x0] =	wrdreg $0x60  }
0xae: {  	[dreg:$0x2] =	wrdreg s24  }
0xaf: {  	[dreg:$0x3] =	wrdreg $0x90000  }
0xb0: {  	[dreg:$0x4] =	wrdreg $0x9  }
0xb1: {  	_ =	task.clear_ibuf [dreg:s6], $0x5FFFF;
	_ =	strace $0x9000004C  }
0xb2: {  	s29 =	simm.s32 $0x9;
	_ =	strace $0x8000004E  }
0xb3: {  	_ =	swait.ge [sflag:s29], $0x1  }
0xb4: {  	[sflag:s29] =	ssyncadd.s32 $0xFFFFFFFF  }
0xb5: {  	_ =	strace $0x9000004E  }
0xb6: {  	_ =	sfence  }
0xb7: {  	s30 =	sld [smem:$0x0];
	_ =	sdelay $0x2  }
0xb8: {  	s31 =	sshll.u32 s1, $0xD;
	s1 =	sshrl.u32 s1, $0x2  }
0xb9: {  	s3 =	sand.u32 $0x4000, s31;
	s1 =	sadd.s32 s1, s30  }
0xba: {  	s0 =	sor.u32 s3, s0;
	s1 =	sshll.u32 s1, $0x11  }
0xbb: {  	s0 =	sor.u32 s1, s0  }
0xbc: {  	s0 =	sadd.s32 $0x8F2B, s0  }
0xbd: {  	[sflag:s0] =	ssyncadd.remote.s32 $0x1  }
0xbe: {  	_ =	sfence.sel $0xFFFF  }
0xbf: {  	[dreg:$0x0] =	wrdreg $0xFFFFFFFF;
	(pc) =	sbr.abs _section_cstart, $3  }
0xc0: {  	[dreg:$0x1] =	wrdreg $0xFFFFFFFF  }
0xc1: {  	_ =	task.clear_ibuf [dreg:s6], $0x2FFFF;
	_ =	strace $0x9FFFFFFF  }
0xc2: {  	(tm) =	ssettm $0x7FFFFFFF  }
0xc3: {  	_ =	shalt  }
tec
execute0_lowered:
.L_overlay_start_1:
0x0: {  	(tag) =	ssettag $0x1  }
0x1: {  	s5 =	rddreg [dreg:$0x0]  }
0x2: {  	s2 =	rddreg [dreg:$0x1]  }
0x3: {  	s0 =	rddreg [dreg:$0x2];
	s4 =	srdreg.scid  }
0x4: {  	s1 =	stileid.u32;
	s3 =	simm.s32 $0x0;
	s14 =	simm.s32 $0x80  }
0x5: {  	s15 =	simm.s32 $0x5000;
	s16 =	simm.s32 $0x1;
	s17 =	simm.s32 $0x0  }
0x6: {  	s6 =	sand.u32 $0x1, s4;
	s7 =	smul.u32 $0x13C00, s1;
	[smem:$0x7FF] =	sst s3  }
0x7: {  	s26 =	sshll.u32 s1, $0x1;
	s4 =	sadd.s32 $0x3E600, s5;
	s10 =	smul.u32 $0x4F000, s1  }
0x8: {  	s31 =	sshll.u32 s1, $0x6;
	s8 =	smul.u32 $0x13C000, s6;
	s9 =	sor.u32 s6, s26  }
0x9: {  	_ =	strace $0x8000004D;
	s6 =	ssub.s32 $0x2, s6;
	s9 =	smul.u32 $0x500, s9  }
0xa: {  	s28 =	sshrl.u32 s6, $0x1;
	s29 =	sshrl.u32 s10, $0x2;
	s30 =	sshrl.u32 s7, $0x3  }
0xb: {  	s8 =	sadd.s32 s7, s8;
	s12 =	ssub.s32 s6, s28;
	s13 =	sadd.s32 s29, s2  }
0xc: {  	s6 =	sor.u32 $0x1C02, s31;
	s8 =	sshrl.u32 s8, $0x3;
	s9 =	sadd.s32 s9, s5  }
0xd: {  	s10 =	smax.u32 s12, $0x1;
	s12 =	simm.s32 $0x2;
	s11 =	sadd.s32 s8, s5  }
0xe: {  	s5 =	sadd.s32 s4, s30;
	s7 =	sadd.s32 $0xD400, s9;
	s8 =	sadd.s32 $0x2A00, s9  }
0xf: {  	s9 =	sadd.s32 $0x65E00, s11;
	s11 =	sshrl.u32 s13, $0x3;
	s13 =	simm.s32 $0x2800  }
.LBB2_1:
0x10: {  	[spmem:s11], [sflag:s6] =	dma.local [hbm:s5], $0x2780  }
0x11: {  	_ =	swait.ge [sflag:s12], $0x2780  }
0x12: {  	[sflag:s12] =	ssyncset.done $0x0  }
0x13: {  	[sflag:s12] =	ssyncadd.s32 $0xFFFFD880  }
0x14: {  	[bflag:$0x0] =	sbarrier.arrive $0xFFFF  }
0x15: {  	[tilespmem:s3], [sflag:$0x2] =	stream.linear.gather [hbm4b:s7+s3], $0x2780, $0x38;
	[tilespmem:$0x1CC00] =	vst v63  }
0x16: {  	_ =	swait.ge [sflag:s12], $0x2780  }
0x17: {  	[sflag:s12] =	ssyncset.done $0x0  }
0x18: {  	[sflag:s12] =	ssyncadd.s32 $0xFFFFD880  }
0x19: {  	[tilespmem:s13], [sflag:$0x2] =	stream.linear.gather [hbm4b:s8+s3], $0x2780, $0x38;
	[tilespmem:$0x1CC00] =	vst v63  }
0x1a: {  	_ =	swait.ge [sflag:s12], $0x2780  }
0x1b: {  	[sflag:s12] =	ssyncset.done $0x0  }
0x1c: {  	s18 =	simm.s32 $0x0;
	[sflag:s12] =	ssyncadd.s32 $0xFFFFD880  }
0x1d: {  	[tilespmem:s15], [sflag:$0x1] =	stream.indirect.gather [hbm4b:s4+s14], $0x80, s18, s14, $0xb8;
	[tilespmem:$0x1CC00] =	vst v63  }
0x1e: {  	_ =	swait.ge [sflag:s16], $0x4000  }
0x1f: {  	[sflag:s16] =	ssyncset.done $0x0  }
0x20: {  	s31 =	simm.s32 $0x2800;
	[sflag:s16] =	ssyncadd.s32 $0xFFFFC000  }
0x21: {  	[spmem:s2] =	stream.indirect.scatter.add.f32 [tilespmem:s15], [sflag:$0x2], $0x80, s31, s14, $0xb8;
	[tilespmem:$0x1CC00] =	vst v63  }
0x22: {  	_ =	swait.ge [sflag:s12], $0x4000  }
0x23: {  	s19 =	simm.s32 $0x400;
	s18 =	simm.s32 $0x200;
	[sflag:s12] =	ssyncset.done $0x0  }
.LBB2_2:
0x24: {  	s20 =	sshra.s32 s18, $0x2  }
0x25: {  	[sflag:s12] =	ssyncadd.s32 $0xFFFFC000;
	s18 =	smov.u32 s19;
	s21 =	sadd.s32 $0x200, s19  }
0x26: {  	[tilespmem:s15], [sflag:$0x1] =	stream.indirect.gather [hbm4b:s4+s14], $0x80, s20, s14, $0xb8;
	[tilespmem:$0x1CC00] =	vst v63  }
0x27: {  	p0 =	sne.s32 s19, $0x9C00;
	_ =	swait.ge [sflag:s16], $0x4000  }
.Ltmp0:
0x28: {  	[sflag:s16] =	ssyncset.done $0x0;
	(pc) =	sbr.rel @p0 .LBB2_2-.Ltmp0, $4  }
0x29: {  	s19 =	sadd.s32 $0x2800, s20;
	[sflag:s16] =	ssyncadd.s32 $0xFFFFC000  }
0x2a: {  	[spmem:s2] =	stream.indirect.scatter.add.f32 [tilespmem:s15], [sflag:$0x2], $0x80, s19, s14, $0xb8;
	[tilespmem:$0x1CC00] =	vst v63  }
0x2b: {  	_ =	swait.ge [sflag:s12], $0x4000  }
0x2c: {  	s19 =	smov.u32 s21;
	[sflag:s12] =	ssyncset.done $0x0  }
0x2d: {  	s18 =	sshra.s32 s18, $0x2;
	[sflag:s12] =	ssyncadd.s32 $0xFFFFC000  }
0x2e: {  	[tilespmem:s15], [sflag:$0x1] =	stream.indirect.gather [hbm4b:s4+s14], $0x80, s18, s14, $0xb8;
	[tilespmem:$0x1CC00] =	vst v63  }
0x2f: {  	_ =	swait.ge [sflag:s16], $0x4000  }
0x30: {  	[sflag:s16] =	ssyncset.done $0x0  }
0x31: {  	s18 =	sadd.s32 $0x2800, s18;
	[sflag:s16] =	ssyncadd.s32 $0xFFFFC000  }
0x32: {  	[spmem:s2] =	stream.indirect.scatter.add.f32 [tilespmem:s15], [sflag:$0x2], $0x80, s18, s14, $0xb8;
	[tilespmem:$0x1CC00] =	vst v63  }
0x33: {  	_ =	swait.ge [sflag:s12], $0x4000  }
0x34: {  	s17 =	sadd.s32 $0x1, s17;
	[sflag:s12] =	ssyncset.done $0x0  }
0x35: {  	p0 =	sne.s32 s17, s10;
	[sflag:s12] =	ssyncadd.s32 $0xFFFFC000  }
.Ltmp1:
0x36: {  	[bflag:$0x0] =	sbarrier.arrive $0xFFFF;
	(pc) =	sbr.rel @p0 .LBB2_1-.Ltmp1, $4  }
0x37: {  	[hbm:s9], [sflag:s6] =	dma.local [spmem:s11], $0x2780  }
0x38: {  	_ =	swait.ge [sflag:s12], $0x2780  }
0x39: {  	[sflag:s12] =	ssyncset.done $0x0  }
0x3a: {  	[sflag:s12] =	ssyncadd.s32 $0xFFFFD880  }
0x3b: {  	_ =	sfence.sel $0x180000  }
0x3c: {  	[bflag:$0x0] =	sbarrier.arrive $0xFFFF  }
0x3d: {  	p0 =	sne.s32 s1, $0x0;
	_ =	strace $0x9000004D  }
0x3e: {  	s0 =	sadd.s32 @!p0 $0x100000, s0;
	[bflag:$0x2] =	sbarrier.arrive $0xFFFF  }
0x3f: {  	[sflag:s0] =	ssyncadd.tile.s32 @!p0 $0x1;
	_ =	shalt  }
.Lfunc_end2:
_tile_overlayer_lowered:
.L_overlay_start_2:
0x40: {  	(tag) =	ssettag $0x2  }
0x41: {  	s0 =	rddreg [dreg:$0x0];
	s2 =	stileid.u32  }
0x42: {  	s1 =	rddreg [dreg:$0x1];
	p0 =	sne.s32 s2, $0x0  }
0x43: {  	s3 =	rddreg [dreg:$0x2];
	[bflag:$0x3] =	sbarrier.arrive $0xFFFF;
	s2 =	simm.s32 @!p0 $0x1C02  }
0x44: {  	[timem:s3], [sflag:s2] =	dma.local @!p0 [hbm:s0], s1  }
0x45: {  	s0 =	simm.s32 @!p0 $0x2  }
0x46: {  	_ =	swait.ge @!p0 [sflag:s0], s1  }
0x47: {  	s1 =	ssub.s32 @!p0 $0x0, s1;
	[sflag:s0] =	ssyncset.done @!p0 $0x0  }
0x48: {  	[sflag:s0] =	ssyncadd.s32 @!p0 s1  }
0x49: {  	[bflag:$0x3] =	sbarrier.arrive $0xFFFF  }
0x4a: {  	_ =	shalt  }

// kernel: kernel.8.cloned.1.call-start
scs
__scs_entry_jumppad:
0x0: {  	(pc) =	sbr.rel $0x88, $3  }
0x1: {  	(tag) =	ssettag $0x0;
	lr =	simm.s32 $0x1  }
0x2: {  	[smem:$0x3F98] =	sst lr;
	_ =	strace $0xD0000000  }
0x3: {  	_ = 	snop  }
0x4: {  	_ = 	snop  }
0x5: {  	_ = 	snop  }
0x6: {  	_ = 	snop  }
0x7: {  	_ = 	snop  }
__scs_overlays_trampoline_lowered:
0x8: {  	[smem:$0x3FA7] =	sst s0  }
0x9: {  	[smem:$0x3FA8] =	sst s1  }
0xa: {  	[smem:$0x3FA9] =	sst s2  }
0xb: {  	[smem:$0x3FAA] =	sst s3  }
0xc: {  	[smem:$0x3FAB] =	sst s4  }
0xd: {  	[smem:$0x3FAC] =	sst s5  }
0xe: {  	[smem:$0x3FAD] =	sst s6  }
0xf: {  	[smem:$0x3FAE] =	sst s7  }
0x10: {  	[smem:$0x3FAF] =	sst s8  }
0x11: {  	[smem:$0x3FB0] =	sst s9;
	s0 =	simm.s32 @!p0 $0x0  }
0x12: {  	s1 =	sld [smem:$0x3F96];
	s0 =	simm.s32 @p0 $0x1  }
0x13: {  	[smem:$0x3FB1] =	sst s0;
	s0 =	simm.s32 @!p1 $0x0  }
0x14: {  	s2 =	sld [smem:$0x3F95];
	s0 =	simm.s32 @p1 $0x1  }
0x15: {  	[smem:$0x3FB2] =	sst s0;
	s0 =	simm.s32 @!p2 $0x0  }
0x16: {  	s3 =	sld [smem:$0x3FDB];
	s0 =	simm.s32 @p2 $0x1  }
0x17: {  	s4 =	simm.s32 $0x1BF5;
	[smem:$0x3FB4] =	sst s0  }
0x18: {  	s0 =	sld [smem:$0x3F97];
	_ =	swait.ge [sflag:s4], $0x0  }
0x19: {  	s7 =	sld [smem:$0x3F98]  }
0x1a: {  	s8 =	sadd.s32 $0xFFFFE003, lr  }
0x1b: {  	s9 =	sadd.s32 $0xFFFFFEF7, lr;
	s5 =	simm.s32 $0xFFFFFFFF;
	p2 =	slt.u32 s8, $0xFFFFF086  }
0x1c: {  	p1 =	slt.u32 s9, $0xF7A;
	s5 =	simm.s32 @!p2 $0x0  }
0x1d: {  	s5 =	simm.s32 @p1 $0x1;
	p0 =	seq.s32 s7, s2  }
0x1e: {  	s7 =	smul.u32 @!p0 $0xF7A, s2;
	p2 =	seq.s32 @!p0 s5, $0x0  }
0x1f: {  	s9 =	smul.u32 $0xF7A, s1;
	s8 =	simm.s32 @!p0 $0x1BF5;
	p2 =	por !p2, p0  }
0x20: {  	[sflag:s8] =	ssyncset.s32 @!p0 $0xFFFFF086;
	s6 =	sadd.s32 @!p0 s3, s7;
	s7 =	simm.s32 @!p0 $0x108  }
0x21: {  	s3 =	sadd.s32 s3, s9;
	s6 =	sadd.s32 @!p0 $0x88, s6;
	s7 =	simm.s32 @p2 $0x1082  }
0x22: {  	[simem:s7], [sflag:s8] =	dma.local @!p0 [hbm:s6], $0xF7A  }
0x23: {  	s9 =	sor.u32 $0xD0000000, s2;
	s6 =	simm.s32 $0x108;
	_ =	swait.ge @!p0 [sflag:s8], $0x0  }
0x24: {  	s3 =	sadd.s32 $0x88, s3;
	s6 =	simm.s32 @!p1 $0x1082;
	[sflag:s4] =	ssyncset.s32 $0xFFFFF086  }
0x25: {  	[simem:s6], [sflag:s4] =	dma.local [hbm:s3], $0xF7A  }
0x26: {  	[smem:$0x3F98] =	sst s1;
	(tag) =	ssettag s2;
	_ =	strace s9  }
0x27: {  	s1 =	sld [smem:$0x3FA8]  }
0x28: {  	s2 =	sld [smem:$0x3FA9]  }
0x29: {  	s4 =	sld [smem:$0x3FAB]  }
0x2a: {  	p0 =	seq.s32 s5, $0x0;
	s5 =	sld [smem:$0x3FAC]  }
0x2b: {  	s6 =	sld [smem:$0x3FAD]  }
0x2c: {  	s7 =	sld [smem:$0x3FAE]  }
0x2d: {  	s3 =	simm.s32 $0x108;
	s8 =	sld [smem:$0x3FAF]  }
0x2e: {  	s3 =	simm.s32 @!p0 $0x1082;
	s9 =	sld [smem:$0x3FB0]  }
0x2f: {  	lr =	sadd.s32 s0, s3;
	s0 =	sld [smem:$0x3FA7]  }
0x30: {  	s3 =	sld [smem:$0x3FAA]  }
0x31: {  	[smem:$0x3FB3] =	sst s10  }
0x32: {  	s10 =	sld [smem:$0x3FB1];
	_ =	sdelay $0x3  }
0x33: {  	p0 =	seq.s32 s10, $0x1;
	s10 =	sld [smem:$0x3FB3];
	_ =	sdelay $0x3  }
0x34: {  	[smem:$0x3FB3] =	sst s10  }
0x35: {  	s10 =	sld [smem:$0x3FB2];
	_ =	sdelay $0x3  }
0x36: {  	p1 =	seq.s32 s10, $0x1;
	s10 =	sld [smem:$0x3FB3];
	_ =	sdelay $0x3  }
0x37: {  	[smem:$0x3FB3] =	sst s10  }
0x38: {  	s10 =	sld [smem:$0x3FB4]  }
0x39: {  	_ = 	snop;
	(pc) =	sbr.ind lr, $3  }
0x3a: {  	_ = 	snop  }
0x3b: {  	_ = 	snop  }
0x3c: {  	p2 =	seq.s32 s10, $0x1;
	s10 =	sld [smem:$0x3FB3]  }
0x3d: {  	_ =	shalt  }
0x3e: {  	_ =	shalt  }
0x3f: {  	_ =	shalt  }
0x40: {  	_ =	shalt  }
0x41: {  	_ =	shalt  }
0x42: {  	_ =	shalt  }
0x43: {  	_ =	shalt  }
0x44: {  	_ =	shalt  }
0x45: {  	_ =	shalt  }
0x46: {  	_ =	shalt  }
0x47: {  	_ =	shalt  }
0x48: {  	_ =	shalt  }
0x49: {  	_ =	shalt  }
0x4a: {  	_ =	shalt  }
0x4b: {  	_ =	shalt  }
0x4c: {  	_ =	shalt  }
0x4d: {  	_ =	shalt  }
0x4e: {  	_ =	shalt  }
0x4f: {  	_ =	shalt  }
0x50: {  	_ =	shalt  }
0x51: {  	_ =	shalt  }
0x52: {  	_ =	shalt  }
0x53: {  	_ =	shalt  }
0x54: {  	_ =	shalt  }
0x55: {  	_ =	shalt  }
0x56: {  	_ =	shalt  }
0x57: {  	_ =	shalt  }
0x58: {  	_ =	shalt  }
0x59: {  	_ =	shalt  }
0x5a: {  	_ =	shalt  }
0x5b: {  	_ =	shalt  }
0x5c: {  	_ =	shalt  }
0x5d: {  	_ =	shalt  }
0x5e: {  	_ =	shalt  }
0x5f: {  	_ =	shalt  }
0x60: {  	_ =	shalt  }
0x61: {  	_ =	shalt  }
0x62: {  	_ =	shalt  }
0x63: {  	_ =	shalt  }
0x64: {  	_ =	shalt  }
0x65: {  	_ =	shalt  }
0x66: {  	_ =	shalt  }
0x67: {  	_ =	shalt  }
0x68: {  	_ =	shalt  }
0x69: {  	_ =	shalt  }
0x6a: {  	_ =	shalt  }
0x6b: {  	_ =	shalt  }
0x6c: {  	_ =	shalt  }
0x6d: {  	_ =	shalt  }
0x6e: {  	_ =	shalt  }
0x6f: {  	_ =	shalt  }
0x70: {  	_ =	shalt  }
0x71: {  	_ =	shalt  }
0x72: {  	_ =	shalt  }
0x73: {  	_ =	shalt  }
0x74: {  	_ =	shalt  }
0x75: {  	_ =	shalt  }
0x76: {  	_ =	shalt  }
0x77: {  	_ =	shalt  }
0x78: {  	_ =	shalt  }
0x79: {  	_ =	shalt  }
0x7a: {  	_ =	shalt  }
0x7b: {  	_ =	shalt  }
0x7c: {  	_ =	shalt  }
0x7d: {  	_ =	shalt  }
0x7e: {  	_ =	shalt  }
0x7f: {  	_ =	shalt  }
0x80: {  	_ =	shalt  }
0x81: {  	_ =	shalt  }
0x82: {  	_ =	shalt  }
0x83: {  	_ =	shalt  }
0x84: {  	_ =	shalt  }
0x85: {  	_ =	shalt  }
0x86: {  	_ =	shalt  }
0x87: {  	_ =	shalt  }
.Lfunc_end0:
.L_simem_size_0:
called_computation_lowered:
.L_overlay_start_0:
0x88: {  	s2 =	sld [smem:$0x3FD9]  }
0x89: {  	s3 =	sld [smem:$0x3FFE];
	_ =	sdelay $0x1  }
0x8a: {  	s1 =	srdreg.scid  }
0x8b: {  	s0 =	sand.u32 $0x1, s1  }
0x8c: {  	s16 =	sshll.u32 s0, $0xA;
	s2 =	sadd.s32 s3, s2  }
0x8d: {  	s2 =	sadd.s32 s2, s16  }
0x8e: {  	[smem:$0x3FBF] =	sst s2  }
0x8f: {  	_ = 	snop  }
0x90: {  	(tm) =	ssettm $0x1  }
0x91: {  	s17 =	sld [smem:$0x3FFB];
	_ =	sdelay $0x3  }
0x92: {  	_ =	strace s17  }
0x93: {  	s2 =	sld [smem:$0x3FFC];
	_ =	sdelay $0x3  }
0x94: {  	_ =	strace s2  }
0x95: {  	s2 =	sld [smem:$0x3FFD];
	_ =	sdelay $0x3  }
0x96: {  	_ =	strace s2  }
0x97: {  	_ =	strace $0x8FFFFFFF  }
0x98: {  	s18 =	sld [smem:$0x3FDB];
	_ =	sdelay $0x1  }
0x99: {  	s19 =	simm.s32 $_scs_section_size  }
0x9a: {  	s4 =	simm.s32 $_size__tile_overlayer_lowered;
	s5 =	simm.s32 $_tile_overlayer_lowered  }
0x9b: {  	s22 =	simm.s32 $0x1BFF;
	s21 =	sshll.u32 s5, $0x1;
	s2 =	sadd.s32 s19, s18  }
0x9c: {  	s6 =	simm.s32 $0x0;
	s20 =	sshll.u32 s4, $0x1;
	s4 =	sadd.s32 s21, s2  }
0x9d: {  	[timem:s6], [sflag:s22] =	dma.local [hbm:s4], s20  }
0x9e: {  	_ =	swait.ge [sflag:s22], s20  }
0x9f: {  	s3 =	ssub.s32 $0x0, s20;
	[sflag:s22] =	ssyncset.done $0x0  }
0xa0: {  	[sflag:s22] =	ssyncadd.s32 s3;
	_ =	sdelay $0x1  }
0xa1: {  	s23 =	simm.s32 $0x1B8B  }
0xa2: {  	_ =	swait.ge [sflag:s23], $0x1  }
0xa3: {  	[sflag:s23] =	ssyncset.done $0x0  }
0xa4: {  	s25 =	simm.s32 $0x1B8E;
	s24 =	sld [smem:$0x3FFE];
	[sflag:s23] =	ssyncadd.s32 $0xFFFFFFFF  }
0xa5: {  	s26 =	simm.s32 $execute0_lowered;
	[smem:$0x3FD2] =	sst s25  }
0xa6: {  	s4 =	sshll.u32 s26, $0x1;
	_ =	strace $0x80000046;
	[dreg:$0x1] =	wrdreg $0xFFFFFFFF  }
0xa7: {  	s28 =	simm.s32 $_size_execute0_lowered;
	s2 =	sadd.s32 s2, s4;
	[dreg:$0x0] =	wrdreg $0x0  }
0xa8: {  	s4 =	sshll.u32 s28, $0x1;
	[dreg:$0x2] =	wrdreg s2  }
0xa9: {  	[dreg:$0x3] =	wrdreg s4  }
0xaa: {  	[dreg:$0x4] =	wrdreg $0xC0  }
0xab: {  	_ =	task [dreg:s6], $0x5FFFF  }
0xac: {  	[dreg:$0x1] =	wrdreg $0xFFFFFFFF  }
0xad: {  	[dreg:$0x0] =	wrdreg $0x60  }
0xae: {  	[dreg:$0x2] =	wrdreg s24  }
0xaf: {  	[dreg:$0x3] =	wrdreg $0x2B000  }
0xb0: {  	[dreg:$0x4] =	wrdreg $0x9  }
0xb1: {  	_ =	task.clear_ibuf [dreg:s6], $0x5FFFF;
	_ =	strace $0x90000046  }
0xb2: {  	s29 =	simm.s32 $0x9;
	_ =	strace $0x80000048  }
0xb3: {  	_ =	swait.ge [sflag:s29], $0x1  }
0xb4: {  	[sflag:s29] =	ssyncadd.s32 $0xFFFFFFFF  }
0xb5: {  	_ =	strace $0x90000048  }
0xb6: {  	_ =	sfence  }
0xb7: {  	s30 =	sld [smem:$0x0];
	_ =	sdelay $0x2  }
0xb8: {  	s31 =	sshll.u32 s1, $0xD;
	s1 =	sshrl.u32 s1, $0x2  }
0xb9: {  	s3 =	sand.u32 $0x4000, s31;
	s1 =	sadd.s32 s1, s30  }
0xba: {  	s0 =	sor.u32 s3, s0;
	s1 =	sshll.u32 s1, $0x11  }
0xbb: {  	s0 =	sor.u32 s1, s0  }
0xbc: {  	s0 =	sadd.s32 $0x8F2B, s0  }
0xbd: {  	[sflag:s0] =	ssyncadd.remote.s32 $0x1  }
0xbe: {  	_ =	sfence.sel $0xFFFF  }
0xbf: {  	[dreg:$0x0] =	wrdreg $0xFFFFFFFF;
	(pc) =	sbr.abs _section_cstart, $3  }
0xc0: {  	[dreg:$0x1] =	wrdreg $0xFFFFFFFF  }
0xc1: {  	_ =	task.clear_ibuf [dreg:s6], $0x2FFFF;
	_ =	strace $0x9FFFFFFF  }
0xc2: {  	(tm) =	ssettm $0x7FFFFFFF  }
0xc3: {  	_ =	shalt  }
tec
execute0_lowered:
.L_overlay_start_1:
0x0: {  	(tag) =	ssettag $0x1  }
0x1: {  	s4 =	rddreg [dreg:$0x0]  }
0x2: {  	s2 =	rddreg [dreg:$0x1]  }
0x3: {  	s3 =	srdreg.scid;
	s1 =	stileid.u32  }
0x4: {  	s0 =	rddreg [dreg:$0x2];
	s10 =	simm.s32 $0x80;
	s11 =	simm.s32 $0x2800  }
0x5: {  	s14 =	simm.s32 $0x20;
	s15 =	simm.s32 $0x10;
	s16 =	simm.s32 $0x0  }
0x6: {  	s5 =	sand.u32 $0x1, s3;
	s6 =	sshll.u32 s1, $0x1;
	s7 =	smul.u32 $0x500, s1  }
0x7: {  	s3 =	simm.s32 $0x0;
	s30 =	smul.u32 $0xA00, s1;
	s12 =	sshll.u32 s1, $0x6  }
0x8: {  	s6 =	sor.u32 s5, s6;
	[smem:$0x7FF] =	sst s3;
	s8 =	sshll.u32 s5, $0x7  }
0x9: {  	s5 =	ssub.s32 $0x2, s5;
	s12 =	sor.u32 $0x1C01, s12;
	s6 =	smul.u32 $0x500, s6  }
0xa: {  	_ =	strace $0x80000047;
	s7 =	sor.u32 s8, s7;
	s31 =	sshrl.u32 s5, $0x1  }
0xb: {  	s8 =	sshrl.u32 s30, $0x2;
	s7 =	sshrl.u32 s7, $0x3;
	s9 =	ssub.s32 s5, s31  }
0xc: {  	s6 =	sadd.s32 s6, s4;
	s7 =	sadd.s32 s7, s4;
	s4 =	sadd.s32 s8, s2  }
0xd: {  	s8 =	simm.s32 $0x2880;
	s5 =	sadd.s32 $0x2A00, s6;
	s6 =	sadd.s32 $0xCA00, s7  }
0xe: {  	v0 =	vimm.f32 $1.000000000e+00;
	v1 =	vimm.f32 $0.0e+00;
	s7 =	smax.u32 s9, $0x1;
	s9 =	simm.s32 $0x1;
	s13 =	sshrl.u32 s4, $0x3  }
.LBB2_1:
0xf: {  	[tilespmem:$0x2800] =	vst v0  }
0x10: {  	[tilespmem:$0x2810] =	vst v0  }
0x11: {  	[tilespmem:$0x2820] =	vst v0  }
0x12: {  	[tilespmem:$0x2830] =	vst v0  }
0x13: {  	[tilespmem:$0x2840] =	vst v0  }
0x14: {  	[tilespmem:$0x2850] =	vst v0  }
0x15: {  	[tilespmem:$0x2860] =	vst v0  }
0x16: {  	[tilespmem:$0x2870] =	vst v0  }
0x17: {  	[tilespmem:$0x2880] =	vst v1  }
0x18: {  	[tilespmem:$0x2890] =	vst v1  }
0x19: {  	[tilespmem:$0x28A0] =	vst v1  }
0x1a: {  	[tilespmem:$0x28B0] =	vst v1  }
0x1b: {  	[tilespmem:$0x28C0] =	vst v1  }
0x1c: {  	[tilespmem:$0x28D0] =	vst v1  }
0x1d: {  	[tilespmem:$0x28E0] =	vst v1  }
0x1e: {  	[tilespmem:$0x28F0] =	vst v1  }
0x1f: {  	[tilespmem:$0x2900] =	vst v1  }
0x20: {  	[tilespmem:$0x2910] =	vst v1  }
0x21: {  	[tilespmem:$0x2920] =	vst v1  }
0x22: {  	[tilespmem:$0x2930] =	vst v1  }
0x23: {  	[tilespmem:$0x2940] =	vst v1  }
0x24: {  	[tilespmem:$0x2950] =	vst v1  }
0x25: {  	[tilespmem:$0x2960] =	vst v1  }
0x26: {  	[tilespmem:$0x2970] =	vst v1  }
0x27: {  	[tilespmem:$0x2980] =	vst v1  }
0x28: {  	[tilespmem:$0x2990] =	vst v1  }
0x29: {  	[tilespmem:$0x29A0] =	vst v1  }
0x2a: {  	[tilespmem:$0x29B0] =	vst v1  }
0x2b: {  	[tilespmem:$0x29C0] =	vst v1  }
0x2c: {  	[tilespmem:$0x29D0] =	vst v1  }
0x2d: {  	[tilespmem:$0x29E0] =	vst v1  }
0x2e: {  	[tilespmem:$0x29F0] =	vst v1  }
0x2f: {  	[tilespmem:$0x2A00] =	vst v1  }
0x30: {  	[tilespmem:$0x2A10] =	vst v1  }
0x31: {  	[tilespmem:$0x2A20] =	vst v1  }
0x32: {  	[tilespmem:$0x2A30] =	vst v1  }
0x33: {  	[tilespmem:$0x2A40] =	vst v1  }
0x34: {  	[tilespmem:$0x2A50] =	vst v1  }
0x35: {  	[tilespmem:$0x2A60] =	vst v1  }
0x36: {  	[tilespmem:$0x2A70] =	vst v1  }
0x37: {  	[tilespmem:$0x2A80] =	vst v1  }
0x38: {  	[tilespmem:$0x2A90] =	vst v1  }
0x39: {  	[tilespmem:$0x2AA0] =	vst v1  }
0x3a: {  	[tilespmem:$0x2AB0] =	vst v1  }
0x3b: {  	[tilespmem:$0x2AC0] =	vst v1  }
0x3c: {  	[tilespmem:$0x2AD0] =	vst v1  }
0x3d: {  	[tilespmem:$0x2AE0] =	vst v1  }
0x3e: {  	[tilespmem:$0x2AF0] =	vst v1  }
0x3f: {  	[spmem:s4] =	stream.linear.scatter [tilespmem:s8], [sflag:$0x1], $0x280, $0x38;
	[tilespmem:$0x2D80] =	vst v63  }
0x40: {  	_ =	swait.ge [sflag:s9], $0x280  }
0x41: {  	[sflag:s9] =	ssyncset.done $0x0  }
0x42: {  	[sflag:s9] =	ssyncadd.s32 $0xFFFFFD80  }
0x43: {  	[bflag:$0x0] =	sbarrier.arrive $0xFFFF  }
0x44: {  	[tilespmem:s3], [sflag:$0x1] =	stream.linear.gather [hbm4b:s5+s3], $0x2780, $0x38;
	[tilespmem:$0x2D80] =	vst v63  }
0x45: {  	_ =	swait.ge [sflag:s9], $0x2780  }
0x46: {  	[sflag:s9] =	ssyncset.done $0x0  }
0x47: {  	s17 =	simm.s32 $0x0;
	[sflag:s9] =	ssyncadd.s32 $0xFFFFD880  }
0x48: {  	[spmem:s2] =	stream.indirect.scatter.add.f32 [tilespmem:s11], [sflag:$0x1], $0x1, s17, s10, $0xb8;
	[tilespmem:$0x2D80] =	vst v63  }
0x49: {  	_ =	swait.ge [sflag:s9], $0x80  }
0x4a: {  	s17 =	simm.s32 $0x200;
	[sflag:s9] =	ssyncset.done $0x0  }
.LBB2_2:
0x4b: {  	s18 =	sshra.s32 s17, $0x2;
	[sflag:s9] =	ssyncadd.s32 $0xFFFFFF80;
	p0 =	sne.s32 s17, $0x9C00  }
0x4c: {  	[spmem:s2] =	stream.indirect.scatter.add.f32 [tilespmem:s11], [sflag:$0x1], $0x1, s18, s10, $0xb8;
	[tilespmem:$0x2D80] =	vst v63  }
.Ltmp0:
0x4d: {  	_ = 	snop;
	(pc) =	sbr.rel @p0 .LBB2_2-.Ltmp0, $4  }
0x4e: {  	_ = 	snop  }
0x4f: {  	s17 =	sadd.s32 $0x200, s17  }
0x50: {  	_ =	swait.ge [sflag:s9], $0x80  }
0x51: {  	[sflag:s9] =	ssyncset.done $0x0  }
0x52: {  	s16 =	sadd.s32 $0x1, s16  }
0x53: {  	[sflag:s9] =	ssyncadd.s32 $0xFFFFFF80;
	p0 =	sne.s32 s16, s7  }
.Ltmp1:
0x54: {  	[bflag:$0x0] =	sbarrier.arrive $0xFFFF;
	(pc) =	sbr.rel @p0 .LBB2_1-.Ltmp1, $4  }
0x55: {  	[hbm:s6@s14], [sflag:s12] =	dma.strided [spmem:s13@s15], $0x50, s9, $0x10   }
0x56: {  	_ =	swait.ge [sflag:s9], $0x50  }
0x57: {  	[sflag:s9] =	ssyncset.done $0x0  }
0x58: {  	[sflag:s9] =	ssyncadd.s32 $0xFFFFFFB0  }
0x59: {  	_ =	sfence.sel $0x180000  }
0x5a: {  	[bflag:$0x0] =	sbarrier.arrive $0xFFFF  }
0x5b: {  	p0 =	sne.s32 s1, $0x0;
	_ =	strace $0x90000047  }
0x5c: {  	s0 =	sadd.s32 @!p0 $0x100000, s0;
	[bflag:$0x2] =	sbarrier.arrive $0xFFFF  }
0x5d: {  	[sflag:s0] =	ssyncadd.tile.s32 @!p0 $0x1;
	_ =	shalt  }
.Lfunc_end2:
_tile_overlayer_lowered:
.L_overlay_start_2:
0x5e: {  	(tag) =	ssettag $0x2  }
0x5f: {  	s0 =	rddreg [dreg:$0x0];
	s2 =	stileid.u32  }
0x60: {  	s1 =	rddreg [dreg:$0x1];
	p0 =	sne.s32 s2, $0x0  }
0x61: {  	s3 =	rddreg [dreg:$0x2];
	[bflag:$0x3] =	sbarrier.arrive $0xFFFF;
	s2 =	simm.s32 @!p0 $0x1C01  }
0x62: {  	[timem:s3], [sflag:s2] =	dma.local @!p0 [hbm:s0], s1  }
0x63: {  	s0 =	simm.s32 @!p0 $0x1  }
0x64: {  	_ =	swait.ge @!p0 [sflag:s0], s1  }
0x65: {  	s1 =	ssub.s32 @!p0 $0x0, s1;
	[sflag:s0] =	ssyncset.done @!p0 $0x0  }
0x66: {  	[sflag:s0] =	ssyncadd.s32 @!p0 s1  }
0x67: {  	[bflag:$0x3] =	sbarrier.arrive $0xFFFF  }
0x68: {  	_ =	shalt  }

</sc_bundles>
